<compile_context>
chip_gen: v7x
topology: tpu7x:2x2x1
jax: 0.10.2.dev20260603
libtpu: 0.0.44.dev20260713+nightly
codegen_flags: <defaults>
</compile_context>

<pallas_src>
import functools

import jax
import jax.numpy as jnp
from jax import lax
from jax.experimental import pallas as pl
from jax.experimental.pallas import tpu as pltpu
from jax.experimental.pallas import tpu_sc as plsc

_N = 4096
_D = 96
_M = 16384
_QB = 512
_C = 2048
_G = 32
_INF = 3.0e38
_BIGI = 2**30
_MAXI = 2**31 - 1

_NCORES = 2
_NSUB = 16
_NW = _NCORES * _NSUB
_QPW = _N // _NW


def _idx_body(q_ref, mb_ref, idx_ref, m2_ref):
    q = q_ref[...]
    nc = _M // _C
    ng = _C // _G

    @pl.when(pl.program_id(0) == 0)
    def _build_m2():
        for c in range(nc):
            mb = mb_ref[pl.ds(c * _C, _C), :]
            m2_ref[pl.ds(c * _C, _C), :] = jnp.sum(mb * mb, axis=1,
                                                   keepdims=True)

    qn = -2.0 * q
    ng = _C // _G
    pos5 = lax.broadcasted_iota(jnp.int32, (_C, _QB), 0) // ng
    gkeys = []
    for c in range(nc):
        mb = mb_ref[pl.ds(c * _C, _C), :]
        qm = lax.dot_general(mb, qn, (((1,), (1,)), ((), ())),
                             preferred_element_type=jnp.float32)
        s = m2_ref[pl.ds(c * _C, _C), :] + qm
        b = lax.bitcast_convert_type(s, jnp.int32)
        k = b ^ ((b >> 31) & jnp.int32(0x7FFFFFFF))
        k = (k & jnp.int32(~31)) | pos5
        h = _C // 2
        a1 = jnp.minimum(k[:h], k[h:])
        a2 = jnp.maximum(k[:h], k[h:])
        while h > ng:
            h //= 2
            b1, c1 = a1[:h], a1[h:]
            n1 = jnp.minimum(b1, c1)
            a2 = jnp.minimum(jnp.maximum(b1, c1),
                             jnp.minimum(a2[:h], a2[h:]))
            a1 = n1
        gkeys.append(jnp.concatenate([a1, a2], axis=0))
    ck = jnp.concatenate(gkeys, axis=0)
    ncand = 2 * ng * nc
    iota0 = lax.broadcasted_iota(jnp.int32, (ncand, _QB), 0)
    rows = []
    for _ in range(4):
        m = jnp.min(ck, axis=0, keepdims=True)
        hit = ck == m
        pos = jnp.min(jnp.where(hit, iota0, _BIGI), axis=0, keepdims=True)
        row = (pos // (2 * ng)) * _C + pos % ng + ng * (m & 31)
        rows.append(row)
        ck = jnp.where(iota0 == pos, _MAXI, ck)
    zero = jnp.zeros((4, _QB), jnp.int32)
    idx_ref[...] = jnp.concatenate(rows + [zero], axis=0)


@functools.cache
def _make_gather_mean():
    @functools.partial(
        pl.kernel,
        mesh=plsc.VectorSubcoreMesh(core_axis_name="c", subcore_axis_name="s"),
        out_type=jax.ShapeDtypeStruct((_N, _D), jnp.float32),
        scratch_types=[
            pltpu.VMEM((4, _QPW), jnp.int32),
            pltpu.VMEM((_QPW, 128), jnp.float32),
            pltpu.VMEM((_QPW, 128), jnp.float32),
            pltpu.VMEM((_QPW, 128), jnp.float32),
            pltpu.VMEM((_QPW, 128), jnp.float32),
            pltpu.VMEM((_QPW, _D), jnp.float32),
            pltpu.SemaphoreType.DMA,
        ],
    )
    def _gather_mean(idx_hbm, mb_hbm, out_hbm, idx_v,
                     r0, r1, r2, r3, out_v, sem):
        wid = lax.axis_index("s") * _NCORES + lax.axis_index("c")
        base = wid * _QPW
        pltpu.sync_copy(idx_hbm.at[pl.ds(0, 4), pl.ds(base, _QPW)], idx_v)
        rows = (r0, r1, r2, r3)
        copies = [pltpu.async_copy(mb_hbm.at[idx_v.at[k]], rows[k], sem)
                  for k in range(4)]
        for cp in copies:
            cp.wait()

        def body(qi, carry):
            for dk in range(_D // 16):
                sl = pl.ds(dk * 16, 16)
                out_v[qi, sl] = (r0[qi, sl] + r1[qi, sl]
                                 + r2[qi, sl] + r3[qi, sl]) * 0.25
            return carry

        lax.fori_loop(0, _QPW, body, 0)
        pltpu.sync_copy(out_v, out_hbm.at[pl.ds(base, _QPW)])

    return _gather_mean


def _t9_body(q_ref, n_ref, wq_ref, wn_ref, t_ref):
    t_ref[...] = (
        lax.dot_general(q_ref[...], wq_ref[...], (((1,), (0,)), ((), ())),
                        preferred_element_type=jnp.float32)
        + lax.dot_general(n_ref[...], wn_ref[...], (((1,), (0,)), ((), ())),
                          preferred_element_type=jnp.float32))


def _shift_body(t_ref, b_ref, out_ref):
    zrow = jnp.zeros((1, 64), jnp.float32)
    zcol = jnp.zeros((64, 1), jnp.float32)
    acc = jnp.zeros((64, 64), jnp.float32)
    for ky in range(3):
        for kx in range(3):
            p = t_ref[ky * 3 + kx]
            if ky == 0:
                p = jnp.concatenate([zrow, p[:63, :]], axis=0)
            elif ky == 2:
                p = jnp.concatenate([p[1:, :], zrow], axis=0)
            if kx == 0:
                p = jnp.concatenate([zcol, p[:, :63]], axis=1)
            elif kx == 2:
                p = jnp.concatenate([p[:, 1:], zcol], axis=1)
            acc = acc + p
    out_ref[...] = acc + b_ref[0, 0]


def kernel(query, memory_bank, fcn_w, fcn_b):
    idx_t = pl.pallas_call(
        _idx_body,
        grid=(_N // _QB,),
        in_specs=[
            pl.BlockSpec((_QB, _D), lambda i: (i, 0)),
            pl.BlockSpec((_M, _D), lambda i: (0, 0)),
        ],
        out_specs=pl.BlockSpec((8, _QB), lambda i: (0, i)),
        out_shape=jax.ShapeDtypeStruct((8, _N), jnp.int32),
        scratch_shapes=[pltpu.VMEM((_M, 1), jnp.float32)],
        compiler_params=pltpu.CompilerParams(
            dimension_semantics=("arbitrary",)),
    )(query, memory_bank)

    mb_pad = jnp.pad(memory_bank, ((0, 0), (0, 128 - _D)))
    nmean = _make_gather_mean()(idx_t, mb_pad)

    w = fcn_w[0].reshape(2 * _D, 9)
    wq, wn = w[:_D], w[_D:]
    t9 = pl.pallas_call(
        _t9_body,
        grid=(_N // _QB,),
        in_specs=[
            pl.BlockSpec((_QB, _D), lambda i: (i, 0)),
            pl.BlockSpec((_QB, _D), lambda i: (i, 0)),
            pl.BlockSpec((_D, 9), lambda i: (0, 0)),
            pl.BlockSpec((_D, 9), lambda i: (0, 0)),
        ],
        out_specs=pl.BlockSpec((_QB, 9), lambda i: (i, 0)),
        out_shape=jax.ShapeDtypeStruct((_N, 9), jnp.float32),
    )(query, nmean, wq, wn)

    t3 = t9.T.reshape(9, 64, 64)
    out = pl.pallas_call(
        _shift_body,
        in_specs=[
            pl.BlockSpec((9, 64, 64), lambda: (0, 0, 0)),
            pl.BlockSpec((1, 1), lambda: (0, 0), memory_space=pltpu.SMEM),
        ],
        out_specs=pl.BlockSpec((64, 64), lambda: (0, 0)),
        out_shape=jax.ShapeDtypeStruct((64, 64), jnp.float32),
    )(t3, fcn_b.reshape(1, 1))
    return out.reshape(1, 1, 64, 64)

# --- scband reference (transcript-rebuilt; emitter-appended) ---
"""Pipeline reference for scband-mmupdate-multimodal-17506286698525 (READ-ONLY COPY).

The authoritative reference and input builder live on the scoring server;
editing this copy changes nothing except your own understanding.
"""

import jax, jax.numpy as jnp
import numpy as np

N_PATCHES = 4096  # 64x64 patch grid
D = 96            # query dim, forced by fcn in_channels: (768+768)//8 == 2*D
M = 16384         # memory bank entries
K = 4             # top-k neighbors


def setup_inputs(seed: int = 0) -> dict:
    key = jax.random.key(seed)
    k1, k2, k3, k4 = jax.random.split(key, 4)
    query = jax.random.normal(k1, (N_PATCHES, D), dtype=jnp.float32)
    memory_bank = jax.random.normal(k2, (M, D), dtype=jnp.float32)
    # fcn: Conv2d(in_channels=(768+768)//8=192, out_channels=1, kernel=3, padding=1)
    fcn_w = jax.random.normal(k3, (1, 2 * D, 3, 3), dtype=jnp.float32) * 0.02
    fcn_b = jnp.zeros((1,), dtype=jnp.float32)
    return {"query": query, "memory_bank": memory_bank, "fcn_w": fcn_w, "fcn_b": fcn_b}


def reference(query, memory_bank, fcn_w, fcn_b):
    # cdist(query, memory_bank, p=2) via the Gram expansion
    q2 = jnp.sum(query * query, axis=1, keepdims=True)            # [N,1]
    m2 = jnp.sum(memory_bank * memory_bank, axis=1)[None, :]       # [1,M]
    d2 = jnp.maximum(q2 + m2 - 2.0 * (query @ memory_bank.T), 0.0)
    dist_l2 = jnp.sqrt(d2)                                          # [N,M]
    # torch.topk(dist, k, largest=False) -> smallest distances
    _, topk_idx = jax.lax.top_k(-dist_l2, K)                        # [N,K]
    dist_min = jnp.min(dist_l2, axis=1)                             # computed as in original (not returned)
    neighbors = memory_bank[topk_idx]                               # [N,K,D] gather
    neighbor_mean = jnp.mean(neighbors, axis=1)                     # [N,D]
    combined = jnp.concatenate([query, neighbor_mean], axis=1)      # [N,2D]
    combined = combined[None, ...]                                  # [1,N,2D]
    bsz, npatches, dim = combined.shape
    side = int(npatches ** 0.5)
    x = jnp.transpose(combined, (0, 2, 1)).reshape(bsz, dim, side, side)  # [1,192,64,64]
    out = jax.lax.conv_general_dilated(
        x, fcn_w, window_strides=(1, 1), padding='SAME',
        dimension_numbers=('NCHW', 'OIHW', 'NCHW'))
    out = out + fcn_b[None, :, None, None]
    return out  # [1,1,64,64]

if __name__ == "__main__":
    import jax
    _d = setup_inputs()
    print(jax.jit(kernel)(*tuple(_d.values())))

</pallas_src>

<mosaic_0001>
#map = affine_map<(d0, d1) -> (0, 0)>
module attributes {stable_mosaic.version = 14 : i64} {
  func.func @_gather_mean(%arg0: i32, %arg1: i32, %arg2: memref<8x4096xi32, #tpu.memory_space<hbm>>, %arg3: memref<16384x128xf32, #tpu.memory_space<hbm>>, %arg4: memref<4096x96xf32, #tpu.memory_space<hbm>>, %arg5: memref<4x128xi32, #tpu.memory_space<vmem>>, %arg6: memref<128x128xf32, #tpu.memory_space<vmem>>, %arg7: memref<128x128xf32, #tpu.memory_space<vmem>>, %arg8: memref<128x128xf32, #tpu.memory_space<vmem>>, %arg9: memref<128x128xf32, #tpu.memory_space<vmem>>, %arg10: memref<128x96xf32, #tpu.memory_space<vmem>>, %arg11: memref<!tpu.dma_semaphore, #tpu.memory_space<semaphore_mem>>) attributes {dimension_semantics = [#tpu.dimension_semantics<core_parallel>, #tpu.dimension_semantics<subcore_parallel>], iteration_bounds = array<i64: 2, 16>, scalar_prefetch = 0 : i64, scratch_operands = 7 : i64, tpu.core_type = #tpu.core_type<sc_vector_subcore>, window_params = [{transform_indices = #map}, {transform_indices = #map}, {transform_indices = #map}]} {
    %mul3A = arith.constant 2 : i32
    %mul3A_0 = arith.muli %arg1, %mul3A : i32
    %add3A = arith.addi %mul3A_0, %arg0 : i32
    %mul3A_1 = arith.constant 128 : i32
    %mul3A_2 = arith.muli %add3A, %mul3A_1 : i32
    "tpu.region"() ({
      %run_scoped3A = tpu.sem_alloc : memref<!tpu.dma_semaphore, #tpu.memory_space<semaphore_mem>>
      %dma_start3A_62 = arith.constant 0 : i32
      %dma_start3A_63 = tpu.memref_slice %arg2[%dma_start3A_62, %mul3A_2] : memref<8x4096xi32, #tpu.memory_space<hbm>> -> memref<4x128xi32, #tpu.memory_space<hbm>>
      %dma_start3A_64 = arith.constant 0 : i32
      %dma_start3A_65 = tpu.memref_slice %arg2[%dma_start3A_64, %mul3A_2] : memref<8x4096xi32, #tpu.memory_space<hbm>> -> memref<4x128xi32, #tpu.memory_space<hbm>>
      tpu.enqueue_dma source(%dma_start3A_65 : memref<4x128xi32, #tpu.memory_space<hbm>>) target(%arg5 : memref<4x128xi32, #tpu.memory_space<vmem>>) target_semaphore(%run_scoped3A : memref<!tpu.dma_semaphore, #tpu.memory_space<semaphore_mem>>)
      %dma_wait3A_66 = arith.constant 0 : i32
      %dma_wait3A_67 = tpu.memref_slice %arg2[%dma_wait3A_66, %mul3A_2] : memref<8x4096xi32, #tpu.memory_space<hbm>> -> memref<4x128xi32, #tpu.memory_space<hbm>>
      %dma_wait3A_68 = arith.constant 0 : i32
      %dma_wait3A_69 = tpu.memref_slice %arg2[%dma_wait3A_68, %mul3A_2] : memref<8x4096xi32, #tpu.memory_space<hbm>> -> memref<4x128xi32, #tpu.memory_space<hbm>>
      tpu.wait_dma2 semaphore(%run_scoped3A : memref<!tpu.dma_semaphore, #tpu.memory_space<semaphore_mem>>) src(%dma_wait3A_69 : memref<4x128xi32, #tpu.memory_space<hbm>>) dst(%arg5 : memref<4x128xi32, #tpu.memory_space<vmem>>)
      tpu.yield
    }) : () -> ()
    %dma_start3A = arith.constant 0 : i32
    %dma_start3A_3 = arith.constant 0 : i32
    %dma_start3A_4 = tpu.memref_slice %arg5[%dma_start3A, %dma_start3A_3] : memref<4x128xi32, #tpu.memory_space<vmem>> -> memref<1x128xi32, #tpu.memory_space<vmem>>
    %dma_start3A_5 = tpu.memref_squeeze %dma_start3A_4 : memref<1x128xi32, #tpu.memory_space<vmem>> -> memref<128xi32, #tpu.memory_space<vmem>>
    %dma_start3A_6 = arith.constant 0 : i32
    %dma_start3A_7 = arith.constant 0 : i32
    %dma_start3A_8 = tpu.memref_slice %arg3[%dma_start3A_6, %dma_start3A_7] : memref<16384x128xf32, #tpu.memory_space<hbm>> -> memref<16384x128xf32, #tpu.memory_space<hbm>>
    tpu.enqueue_indirect_dma source(%dma_start3A_8 : memref<16384x128xf32, #tpu.memory_space<hbm>>) target(%arg6 : memref<128x128xf32, #tpu.memory_space<vmem>>) offsets(%dma_start3A_5 : memref<128xi32, #tpu.memory_space<vmem>>) semaphore(%arg11 : memref<!tpu.dma_semaphore, #tpu.memory_space<semaphore_mem>>)
    %dma_start3A_9 = arith.constant 1 : i32
    %dma_start3A_10 = arith.constant 0 : i32
    %dma_start3A_11 = tpu.memref_slice %arg5[%dma_start3A_9, %dma_start3A_10] : memref<4x128xi32, #tpu.memory_space<vmem>> -> memref<1x128xi32, #tpu.memory_space<vmem>>
    %dma_start3A_12 = tpu.memref_squeeze %dma_start3A_11 : memref<1x128xi32, #tpu.memory_space<vmem>> -> memref<128xi32, #tpu.memory_space<vmem>>
    %dma_start3A_13 = arith.constant 0 : i32
    %dma_start3A_14 = arith.constant 0 : i32
    %dma_start3A_15 = tpu.memref_slice %arg3[%dma_start3A_13, %dma_start3A_14] : memref<16384x128xf32, #tpu.memory_space<hbm>> -> memref<16384x128xf32, #tpu.memory_space<hbm>>
    tpu.enqueue_indirect_dma source(%dma_start3A_15 : memref<16384x128xf32, #tpu.memory_space<hbm>>) target(%arg7 : memref<128x128xf32, #tpu.memory_space<vmem>>) offsets(%dma_start3A_12 : memref<128xi32, #tpu.memory_space<vmem>>) semaphore(%arg11 : memref<!tpu.dma_semaphore, #tpu.memory_space<semaphore_mem>>)
    %dma_start3A_16 = arith.constant 2 : i32
    %dma_start3A_17 = arith.constant 0 : i32
    %dma_start3A_18 = tpu.memref_slice %arg5[%dma_start3A_16, %dma_start3A_17] : memref<4x128xi32, #tpu.memory_space<vmem>> -> memref<1x128xi32, #tpu.memory_space<vmem>>
    %dma_start3A_19 = tpu.memref_squeeze %dma_start3A_18 : memref<1x128xi32, #tpu.memory_space<vmem>> -> memref<128xi32, #tpu.memory_space<vmem>>
    %dma_start3A_20 = arith.constant 0 : i32
    %dma_start3A_21 = arith.constant 0 : i32
    %dma_start3A_22 = tpu.memref_slice %arg3[%dma_start3A_20, %dma_start3A_21] : memref<16384x128xf32, #tpu.memory_space<hbm>> -> memref<16384x128xf32, #tpu.memory_space<hbm>>
    tpu.enqueue_indirect_dma source(%dma_start3A_22 : memref<16384x128xf32, #tpu.memory_space<hbm>>) target(%arg8 : memref<128x128xf32, #tpu.memory_space<vmem>>) offsets(%dma_start3A_19 : memref<128xi32, #tpu.memory_space<vmem>>) semaphore(%arg11 : memref<!tpu.dma_semaphore, #tpu.memory_space<semaphore_mem>>)
    %dma_start3A_23 = arith.constant 3 : i32
    %dma_start3A_24 = arith.constant 0 : i32
    %dma_start3A_25 = tpu.memref_slice %arg5[%dma_start3A_23, %dma_start3A_24] : memref<4x128xi32, #tpu.memory_space<vmem>> -> memref<1x128xi32, #tpu.memory_space<vmem>>
    %dma_start3A_26 = tpu.memref_squeeze %dma_start3A_25 : memref<1x128xi32, #tpu.memory_space<vmem>> -> memref<128xi32, #tpu.memory_space<vmem>>
    %dma_start3A_27 = arith.constant 0 : i32
    %dma_start3A_28 = arith.constant 0 : i32
    %dma_start3A_29 = tpu.memref_slice %arg3[%dma_start3A_27, %dma_start3A_28] : memref<16384x128xf32, #tpu.memory_space<hbm>> -> memref<16384x128xf32, #tpu.memory_space<hbm>>
    tpu.enqueue_indirect_dma source(%dma_start3A_29 : memref<16384x128xf32, #tpu.memory_space<hbm>>) target(%arg9 : memref<128x128xf32, #tpu.memory_space<vmem>>) offsets(%dma_start3A_26 : memref<128xi32, #tpu.memory_space<vmem>>) semaphore(%arg11 : memref<!tpu.dma_semaphore, #tpu.memory_space<semaphore_mem>>)
    %dma_wait3A = arith.constant 0 : i32
    %dma_wait3A_30 = arith.constant 0 : i32
    %dma_wait3A_31 = tpu.memref_slice %arg5[%dma_wait3A, %dma_wait3A_30] : memref<4x128xi32, #tpu.memory_space<vmem>> -> memref<1x128xi32, #tpu.memory_space<vmem>>
    %dma_wait3A_32 = tpu.memref_squeeze %dma_wait3A_31 : memref<1x128xi32, #tpu.memory_space<vmem>> -> memref<128xi32, #tpu.memory_space<vmem>>
    %dma_wait3A_33 = arith.constant 0 : i32
    %dma_wait3A_34 = arith.constant 0 : i32
    %dma_wait3A_35 = tpu.memref_slice %arg3[%dma_wait3A_33, %dma_wait3A_34] : memref<16384x128xf32, #tpu.memory_space<hbm>> -> memref<16384x128xf32, #tpu.memory_space<hbm>>
    tpu.wait_indirect_dma semaphore(%arg11 : memref<!tpu.dma_semaphore, #tpu.memory_space<semaphore_mem>>) src(%dma_wait3A_35 : memref<16384x128xf32, #tpu.memory_space<hbm>>) dst(%arg6 : memref<128x128xf32, #tpu.memory_space<vmem>>)
    %dma_wait3A_36 = arith.constant 1 : i32
    %dma_wait3A_37 = arith.constant 0 : i32
    %dma_wait3A_38 = tpu.memref_slice %arg5[%dma_wait3A_36, %dma_wait3A_37] : memref<4x128xi32, #tpu.memory_space<vmem>> -> memref<1x128xi32, #tpu.memory_space<vmem>>
    %dma_wait3A_39 = tpu.memref_squeeze %dma_wait3A_38 : memref<1x128xi32, #tpu.memory_space<vmem>> -> memref<128xi32, #tpu.memory_space<vmem>>
    %dma_wait3A_40 = arith.constant 0 : i32
    %dma_wait3A_41 = arith.constant 0 : i32
    %dma_wait3A_42 = tpu.memref_slice %arg3[%dma_wait3A_40, %dma_wait3A_41] : memref<16384x128xf32, #tpu.memory_space<hbm>> -> memref<16384x128xf32, #tpu.memory_space<hbm>>
    tpu.wait_indirect_dma semaphore(%arg11 : memref<!tpu.dma_semaphore, #tpu.memory_space<semaphore_mem>>) src(%dma_wait3A_42 : memref<16384x128xf32, #tpu.memory_space<hbm>>) dst(%arg7 : memref<128x128xf32, #tpu.memory_space<vmem>>)
    %dma_wait3A_43 = arith.constant 2 : i32
    %dma_wait3A_44 = arith.constant 0 : i32
    %dma_wait3A_45 = tpu.memref_slice %arg5[%dma_wait3A_43, %dma_wait3A_44] : memref<4x128xi32, #tpu.memory_space<vmem>> -> memref<1x128xi32, #tpu.memory_space<vmem>>
    %dma_wait3A_46 = tpu.memref_squeeze %dma_wait3A_45 : memref<1x128xi32, #tpu.memory_space<vmem>> -> memref<128xi32, #tpu.memory_space<vmem>>
    %dma_wait3A_47 = arith.constant 0 : i32
    %dma_wait3A_48 = arith.constant 0 : i32
    %dma_wait3A_49 = tpu.memref_slice %arg3[%dma_wait3A_47, %dma_wait3A_48] : memref<16384x128xf32, #tpu.memory_space<hbm>> -> memref<16384x128xf32, #tpu.memory_space<hbm>>
    tpu.wait_indirect_dma semaphore(%arg11 : memref<!tpu.dma_semaphore, #tpu.memory_space<semaphore_mem>>) src(%dma_wait3A_49 : memref<16384x128xf32, #tpu.memory_space<hbm>>) dst(%arg8 : memref<128x128xf32, #tpu.memory_space<vmem>>)
    %dma_wait3A_50 = arith.constant 3 : i32
    %dma_wait3A_51 = arith.constant 0 : i32
    %dma_wait3A_52 = tpu.memref_slice %arg5[%dma_wait3A_50, %dma_wait3A_51] : memref<4x128xi32, #tpu.memory_space<vmem>> -> memref<1x128xi32, #tpu.memory_space<vmem>>
    %dma_wait3A_53 = tpu.memref_squeeze %dma_wait3A_52 : memref<1x128xi32, #tpu.memory_space<vmem>> -> memref<128xi32, #tpu.memory_space<vmem>>
    %dma_wait3A_54 = arith.constant 0 : i32
    %dma_wait3A_55 = arith.constant 0 : i32
    %dma_wait3A_56 = tpu.memref_slice %arg3[%dma_wait3A_54, %dma_wait3A_55] : memref<16384x128xf32, #tpu.memory_space<hbm>> -> memref<16384x128xf32, #tpu.memory_space<hbm>>
    tpu.wait_indirect_dma semaphore(%arg11 : memref<!tpu.dma_semaphore, #tpu.memory_space<semaphore_mem>>) src(%dma_wait3A_56 : memref<16384x128xf32, #tpu.memory_space<hbm>>) dst(%arg9 : memref<128x128xf32, #tpu.memory_space<vmem>>)
    %scan3A = arith.constant 0 : i32
    %scan3A_57 = arith.constant 0 : i32
    %scan3A_58 = arith.constant 128 : i32
    %scan3A_59 = arith.addi %scan3A_57, %scan3A_58 : i32
    %scan3A_60 = arith.constant 1 : i32
    scf.for %scan3A_62 = %scan3A_57 to %scan3A_59 step %scan3A_60  : i32 {
      %get3A = arith.index_cast %scan3A_62 : i32 to index
      %get3A_63 = arith.constant 0 : index
      %get3A_64 = tpu.vector_load %arg6[%get3A, %get3A_63] {strides = array<i32>} : memref<128x128xf32, #tpu.memory_space<vmem>>, vector<1x16xf32>,
      %get3A_65 = vector.shape_cast %get3A_64 : vector<1x16xf32> to vector<16xf32>
      %get3A_66 = arith.index_cast %scan3A_62 : i32 to index
      %get3A_67 = arith.constant 0 : index
      %get3A_68 = tpu.vector_load %arg7[%get3A_66, %get3A_67] {strides = array<i32>} : memref<128x128xf32, #tpu.memory_space<vmem>>, vector<1x16xf32>,
      %get3A_69 = vector.shape_cast %get3A_68 : vector<1x16xf32> to vector<16xf32>
      %add3A_70 = arith.addf %get3A_65, %get3A_69 : vector<16xf32>
      %get3A_71 = arith.index_cast %scan3A_62 : i32 to index
      %get3A_72 = arith.constant 0 : index
      %get3A_73 = tpu.vector_load %arg8[%get3A_71, %get3A_72] {strides = array<i32>} : memref<128x128xf32, #tpu.memory_space<vmem>>, vector<1x16xf32>,
      %get3A_74 = vector.shape_cast %get3A_73 : vector<1x16xf32> to vector<16xf32>
      %add3A_75 = arith.addf %add3A_70, %get3A_74 : vector<16xf32>
      %get3A_76 = arith.index_cast %scan3A_62 : i32 to index
      %get3A_77 = arith.constant 0 : index
      %get3A_78 = tpu.vector_load %arg9[%get3A_76, %get3A_77] {strides = array<i32>} : memref<128x128xf32, #tpu.memory_space<vmem>>, vector<1x16xf32>,
      %get3A_79 = vector.shape_cast %get3A_78 : vector<1x16xf32> to vector<16xf32>
      %add3A_80 = arith.addf %add3A_75, %get3A_79 : vector<16xf32>
      %mul3A_81 = arith.constant 2.500000e-01 : f32
      %mul3A_82 = vector.broadcast %mul3A_81 : f32 to vector<16xf32>
      %mul3A_83 = arith.mulf %add3A_80, %mul3A_82 : vector<16xf32>
      %swap3A = arith.index_cast %scan3A_62 : i32 to index
      %swap3A_84 = arith.constant 0 : index
      %swap3A_85 = tpu.vector_load %arg10[%swap3A, %swap3A_84] {strides = array<i32>} : memref<128x96xf32, #tpu.memory_space<vmem>>, vector<1x16xf32>,
      %swap3A_86 = vector.shape_cast %swap3A_85 : vector<1x16xf32> to vector<16xf32>
      %swap3A_87 = vector.shape_cast %mul3A_83 : vector<16xf32> to vector<1x16xf32>
      tpu.vector_store %arg10[%swap3A, %swap3A_84], %swap3A_87 {strides = array<i32>} : memref<128x96xf32, #tpu.memory_space<vmem>>, vector<1x16xf32>,
      %get3A_88 = arith.index_cast %scan3A_62 : i32 to index
      %get3A_89 = arith.constant 16 : index
      %get3A_90 = tpu.vector_load %arg6[%get3A_88, %get3A_89] {strides = array<i32>} : memref<128x128xf32, #tpu.memory_space<vmem>>, vector<1x16xf32>,
      %get3A_91 = vector.shape_cast %get3A_90 : vector<1x16xf32> to vector<16xf32>
      %get3A_92 = arith.index_cast %scan3A_62 : i32 to index
      %get3A_93 = arith.constant 16 : index
      %get3A_94 = tpu.vector_load %arg7[%get3A_92, %get3A_93] {strides = array<i32>} : memref<128x128xf32, #tpu.memory_space<vmem>>, vector<1x16xf32>,
      %get3A_95 = vector.shape_cast %get3A_94 : vector<1x16xf32> to vector<16xf32>
      %add3A_96 = arith.addf %get3A_91, %get3A_95 : vector<16xf32>
      %get3A_97 = arith.index_cast %scan3A_62 : i32 to index
      %get3A_98 = arith.constant 16 : index
      %get3A_99 = tpu.vector_load %arg8[%get3A_97, %get3A_98] {strides = array<i32>} : memref<128x128xf32, #tpu.memory_space<vmem>>, vector<1x16xf32>,
      %get3A_100 = vector.shape_cast %get3A_99 : vector<1x16xf32> to vector<16xf32>
      %add3A_101 = arith.addf %add3A_96, %get3A_100 : vector<16xf32>
      %get3A_102 = arith.index_cast %scan3A_62 : i32 to index
      %get3A_103 = arith.constant 16 : index
      %get3A_104 = tpu.vector_load %arg9[%get3A_102, %get3A_103] {strides = array<i32>} : memref<128x128xf32, #tpu.memory_space<vmem>>, vector<1x16xf32>,
      %get3A_105 = vector.shape_cast %get3A_104 : vector<1x16xf32> to vector<16xf32>
      %add3A_106 = arith.addf %add3A_101, %get3A_105 : vector<16xf32>
      %mul3A_107 = arith.constant 2.500000e-01 : f32
      %mul3A_108 = vector.broadcast %mul3A_107 : f32 to vector<16xf32>
      %mul3A_109 = arith.mulf %add3A_106, %mul3A_108 : vector<16xf32>
      %swap3A_110 = arith.index_cast %scan3A_62 : i32 to index
      %swap3A_111 = arith.constant 16 : index
      %swap3A_112 = tpu.vector_load %arg10[%swap3A_110, %swap3A_111] {strides = array<i32>} : memref<128x96xf32, #tpu.memory_space<vmem>>, vector<1x16xf32>,
      %swap3A_113 = vector.shape_cast %swap3A_112 : vector<1x16xf32> to vector<16xf32>
      %swap3A_114 = vector.shape_cast %mul3A_109 : vector<16xf32> to vector<1x16xf32>
      tpu.vector_store %arg10[%swap3A_110, %swap3A_111], %swap3A_114 {strides = array<i32>} : memref<128x96xf32, #tpu.memory_space<vmem>>, vector<1x16xf32>,
      %get3A_115 = arith.index_cast %scan3A_62 : i32 to index
      %get3A_116 = arith.constant 32 : index
      %get3A_117 = tpu.vector_load %arg6[%get3A_115, %get3A_116] {strides = array<i32>} : memref<128x128xf32, #tpu.memory_space<vmem>>, vector<1x16xf32>,
      %get3A_118 = vector.shape_cast %get3A_117 : vector<1x16xf32> to vector<16xf32>
      %get3A_119 = arith.index_cast %scan3A_62 : i32 to index
      %get3A_120 = arith.constant 32 : index
      %get3A_121 = tpu.vector_load %arg7[%get3A_119, %get3A_120] {strides = array<i32>} : memref<128x128xf32, #tpu.memory_space<vmem>>, vector<1x16xf32>,
      %get3A_122 = vector.shape_cast %get3A_121 : vector<1x16xf32> to vector<16xf32>
      %add3A_123 = arith.addf %get3A_118, %get3A_122 : vector<16xf32>
      %get3A_124 = arith.index_cast %scan3A_62 : i32 to index
      %get3A_125 = arith.constant 32 : index
      %get3A_126 = tpu.vector_load %arg8[%get3A_124, %get3A_125] {strides = array<i32>} : memref<128x128xf32, #tpu.memory_space<vmem>>, vector<1x16xf32>,
      %get3A_127 = vector.shape_cast %get3A_126 : vector<1x16xf32> to vector<16xf32>
      %add3A_128 = arith.addf %add3A_123, %get3A_127 : vector<16xf32>
      %get3A_129 = arith.index_cast %scan3A_62 : i32 to index
      %get3A_130 = arith.constant 32 : index
      %get3A_131 = tpu.vector_load %arg9[%get3A_129, %get3A_130] {strides = array<i32>} : memref<128x128xf32, #tpu.memory_space<vmem>>, vector<1x16xf32>,
      %get3A_132 = vector.shape_cast %get3A_131 : vector<1x16xf32> to vector<16xf32>
      %add3A_133 = arith.addf %add3A_128, %get3A_132 : vector<16xf32>
      %mul3A_134 = arith.constant 2.500000e-01 : f32
      %mul3A_135 = vector.broadcast %mul3A_134 : f32 to vector<16xf32>
      %mul3A_136 = arith.mulf %add3A_133, %mul3A_135 : vector<16xf32>
      %swap3A_137 = arith.index_cast %scan3A_62 : i32 to index
      %swap3A_138 = arith.constant 32 : index
      %swap3A_139 = tpu.vector_load %arg10[%swap3A_137, %swap3A_138] {strides = array<i32>} : memref<128x96xf32, #tpu.memory_space<vmem>>, vector<1x16xf32>,
      %swap3A_140 = vector.shape_cast %swap3A_139 : vector<1x16xf32> to vector<16xf32>
      %swap3A_141 = vector.shape_cast %mul3A_136 : vector<16xf32> to vector<1x16xf32>
      tpu.vector_store %arg10[%swap3A_137, %swap3A_138], %swap3A_141 {strides = array<i32>} : memref<128x96xf32, #tpu.memory_space<vmem>>, vector<1x16xf32>,
      %get3A_142 = arith.index_cast %scan3A_62 : i32 to index
      %get3A_143 = arith.constant 48 : index
      %get3A_144 = tpu.vector_load %arg6[%get3A_142, %get3A_143] {strides = array<i32>} : memref<128x128xf32, #tpu.memory_space<vmem>>, vector<1x16xf32>,
      %get3A_145 = vector.shape_cast %get3A_144 : vector<1x16xf32> to vector<16xf32>
      %get3A_146 = arith.index_cast %scan3A_62 : i32 to index
      %get3A_147 = arith.constant 48 : index
      %get3A_148 = tpu.vector_load %arg7[%get3A_146, %get3A_147] {strides = array<i32>} : memref<128x128xf32, #tpu.memory_space<vmem>>, vector<1x16xf32>,
      %get3A_149 = vector.shape_cast %get3A_148 : vector<1x16xf32> to vector<16xf32>
      %add3A_150 = arith.addf %get3A_145, %get3A_149 : vector<16xf32>
      %get3A_151 = arith.index_cast %scan3A_62 : i32 to index
      %get3A_152 = arith.constant 48 : index
      %get3A_153 = tpu.vector_load %arg8[%get3A_151, %get3A_152] {strides = array<i32>} : memref<128x128xf32, #tpu.memory_space<vmem>>, vector<1x16xf32>,
      %get3A_154 = vector.shape_cast %get3A_153 : vector<1x16xf32> to vector<16xf32>
      %add3A_155 = arith.addf %add3A_150, %get3A_154 : vector<16xf32>
      %get3A_156 = arith.index_cast %scan3A_62 : i32 to index
      %get3A_157 = arith.constant 48 : index
      %get3A_158 = tpu.vector_load %arg9[%get3A_156, %get3A_157] {strides = array<i32>} : memref<128x128xf32, #tpu.memory_space<vmem>>, vector<1x16xf32>,
      %get3A_159 = vector.shape_cast %get3A_158 : vector<1x16xf32> to vector<16xf32>
      %add3A_160 = arith.addf %add3A_155, %get3A_159 : vector<16xf32>
      %mul3A_161 = arith.constant 2.500000e-01 : f32
      %mul3A_162 = vector.broadcast %mul3A_161 : f32 to vector<16xf32>
      %mul3A_163 = arith.mulf %add3A_160, %mul3A_162 : vector<16xf32>
      %swap3A_164 = arith.index_cast %scan3A_62 : i32 to index
      %swap3A_165 = arith.constant 48 : index
      %swap3A_166 = tpu.vector_load %arg10[%swap3A_164, %swap3A_165] {strides = array<i32>} : memref<128x96xf32, #tpu.memory_space<vmem>>, vector<1x16xf32>,
      %swap3A_167 = vector.shape_cast %swap3A_166 : vector<1x16xf32> to vector<16xf32>
      %swap3A_168 = vector.shape_cast %mul3A_163 : vector<16xf32> to vector<1x16xf32>
      tpu.vector_store %arg10[%swap3A_164, %swap3A_165], %swap3A_168 {strides = array<i32>} : memref<128x96xf32, #tpu.memory_space<vmem>>, vector<1x16xf32>,
      %get3A_169 = arith.index_cast %scan3A_62 : i32 to index
      %get3A_170 = arith.constant 64 : index
      %get3A_171 = tpu.vector_load %arg6[%get3A_169, %get3A_170] {strides = array<i32>} : memref<128x128xf32, #tpu.memory_space<vmem>>, vector<1x16xf32>,
      %get3A_172 = vector.shape_cast %get3A_171 : vector<1x16xf32> to vector<16xf32>
      %get3A_173 = arith.index_cast %scan3A_62 : i32 to index
      %get3A_174 = arith.constant 64 : index
      %get3A_175 = tpu.vector_load %arg7[%get3A_173, %get3A_174] {strides = array<i32>} : memref<128x128xf32, #tpu.memory_space<vmem>>, vector<1x16xf32>,
      %get3A_176 = vector.shape_cast %get3A_175 : vector<1x16xf32> to vector<16xf32>
      %add3A_177 = arith.addf %get3A_172, %get3A_176 : vector<16xf32>
      %get3A_178 = arith.index_cast %scan3A_62 : i32 to index
      %get3A_179 = arith.constant 64 : index
      %get3A_180 = tpu.vector_load %arg8[%get3A_178, %get3A_179] {strides = array<i32>} : memref<128x128xf32, #tpu.memory_space<vmem>>, vector<1x16xf32>,
      %get3A_181 = vector.shape_cast %get3A_180 : vector<1x16xf32> to vector<16xf32>
      %add3A_182 = arith.addf %add3A_177, %get3A_181 : vector<16xf32>
      %get3A_183 = arith.index_cast %scan3A_62 : i32 to index
      %get3A_184 = arith.constant 64 : index
      %get3A_185 = tpu.vector_load %arg9[%get3A_183, %get3A_184] {strides = array<i32>} : memref<128x128xf32, #tpu.memory_space<vmem>>, vector<1x16xf32>,
      %get3A_186 = vector.shape_cast %get3A_185 : vector<1x16xf32> to vector<16xf32>
      %add3A_187 = arith.addf %add3A_182, %get3A_186 : vector<16xf32>
      %mul3A_188 = arith.constant 2.500000e-01 : f32
      %mul3A_189 = vector.broadcast %mul3A_188 : f32 to vector<16xf32>
      %mul3A_190 = arith.mulf %add3A_187, %mul3A_189 : vector<16xf32>
      %swap3A_191 = arith.index_cast %scan3A_62 : i32 to index
      %swap3A_192 = arith.constant 64 : index
      %swap3A_193 = tpu.vector_load %arg10[%swap3A_191, %swap3A_192] {strides = array<i32>} : memref<128x96xf32, #tpu.memory_space<vmem>>, vector<1x16xf32>,
      %swap3A_194 = vector.shape_cast %swap3A_193 : vector<1x16xf32> to vector<16xf32>
      %swap3A_195 = vector.shape_cast %mul3A_190 : vector<16xf32> to vector<1x16xf32>
      tpu.vector_store %arg10[%swap3A_191, %swap3A_192], %swap3A_195 {strides = array<i32>} : memref<128x96xf32, #tpu.memory_space<vmem>>, vector<1x16xf32>,
      %get3A_196 = arith.index_cast %scan3A_62 : i32 to index
      %get3A_197 = arith.constant 80 : index
      %get3A_198 = tpu.vector_load %arg6[%get3A_196, %get3A_197] {strides = array<i32>} : memref<128x128xf32, #tpu.memory_space<vmem>>, vector<1x16xf32>,
      %get3A_199 = vector.shape_cast %get3A_198 : vector<1x16xf32> to vector<16xf32>
      %get3A_200 = arith.index_cast %scan3A_62 : i32 to index
      %get3A_201 = arith.constant 80 : index
      %get3A_202 = tpu.vector_load %arg7[%get3A_200, %get3A_201] {strides = array<i32>} : memref<128x128xf32, #tpu.memory_space<vmem>>, vector<1x16xf32>,
      %get3A_203 = vector.shape_cast %get3A_202 : vector<1x16xf32> to vector<16xf32>
      %add3A_204 = arith.addf %get3A_199, %get3A_203 : vector<16xf32>
      %get3A_205 = arith.index_cast %scan3A_62 : i32 to index
      %get3A_206 = arith.constant 80 : index
      %get3A_207 = tpu.vector_load %arg8[%get3A_205, %get3A_206] {strides = array<i32>} : memref<128x128xf32, #tpu.memory_space<vmem>>, vector<1x16xf32>,
      %get3A_208 = vector.shape_cast %get3A_207 : vector<1x16xf32> to vector<16xf32>
      %add3A_209 = arith.addf %add3A_204, %get3A_208 : vector<16xf32>
      %get3A_210 = arith.index_cast %scan3A_62 : i32 to index
      %get3A_211 = arith.constant 80 : index
      %get3A_212 = tpu.vector_load %arg9[%get3A_210, %get3A_211] {strides = array<i32>} : memref<128x128xf32, #tpu.memory_space<vmem>>, vector<1x16xf32>,
      %get3A_213 = vector.shape_cast %get3A_212 : vector<1x16xf32> to vector<16xf32>
      %add3A_214 = arith.addf %add3A_209, %get3A_213 : vector<16xf32>
      %mul3A_215 = arith.constant 2.500000e-01 : f32
      %mul3A_216 = vector.broadcast %mul3A_215 : f32 to vector<16xf32>
      %mul3A_217 = arith.mulf %add3A_214, %mul3A_216 : vector<16xf32>
      %swap3A_218 = arith.index_cast %scan3A_62 : i32 to index
      %swap3A_219 = arith.constant 80 : index
      %swap3A_220 = tpu.vector_load %arg10[%swap3A_218, %swap3A_219] {strides = array<i32>} : memref<128x96xf32, #tpu.memory_space<vmem>>, vector<1x16xf32>,
      %swap3A_221 = vector.shape_cast %swap3A_220 : vector<1x16xf32> to vector<16xf32>
      %swap3A_222 = vector.shape_cast %mul3A_217 : vector<16xf32> to vector<1x16xf32>
      tpu.vector_store %arg10[%swap3A_218, %swap3A_219], %swap3A_222 {strides = array<i32>} : memref<128x96xf32, #tpu.memory_space<vmem>>, vector<1x16xf32>,
    }
    %scan3A_61 = arith.constant 128 : i32
    "tpu.region"() ({
      %run_scoped3A = tpu.sem_alloc : memref<!tpu.dma_semaphore, #tpu.memory_space<semaphore_mem>>
      %dma_start3A_62 = arith.constant 0 : i32
      %dma_start3A_63 = tpu.memref_slice %arg4[%mul3A_2, %dma_start3A_62] : memref<4096x96xf32, #tpu.memory_space<hbm>> -> memref<128x96xf32, #tpu.memory_space<hbm>>
      %dma_start3A_64 = arith.constant 0 : i32
      %dma_start3A_65 = tpu.memref_slice %arg4[%mul3A_2, %dma_start3A_64] : memref<4096x96xf32, #tpu.memory_space<hbm>> -> memref<128x96xf32, #tpu.memory_space<hbm>>
      tpu.enqueue_dma source(%arg10 : memref<128x96xf32, #tpu.memory_space<vmem>>) target(%dma_start3A_65 : memref<128x96xf32, #tpu.memory_space<hbm>>) target_semaphore(%run_scoped3A : memref<!tpu.dma_semaphore, #tpu.memory_space<semaphore_mem>>)
      %dma_wait3A_66 = arith.constant 0 : i32
      %dma_wait3A_67 = tpu.memref_slice %arg4[%mul3A_2, %dma_wait3A_66] : memref<4096x96xf32, #tpu.memory_space<hbm>> -> memref<128x96xf32, #tpu.memory_space<hbm>>
      %dma_wait3A_68 = arith.constant 0 : i32
      %dma_wait3A_69 = tpu.memref_slice %arg4[%mul3A_2, %dma_wait3A_68] : memref<4096x96xf32, #tpu.memory_space<hbm>> -> memref<128x96xf32, #tpu.memory_space<hbm>>
      tpu.wait_dma2 semaphore(%run_scoped3A : memref<!tpu.dma_semaphore, #tpu.memory_space<semaphore_mem>>) src(%arg10 : memref<128x96xf32, #tpu.memory_space<vmem>>) dst(%dma_wait3A_69 : memref<128x96xf32, #tpu.memory_space<hbm>>)
      tpu.yield
    }) : () -> ()
    return
  }
}

module attributes {stable_mosaic.version = 14 : i64} {
  func.func @_idx_body(%arg0: i32, %arg1: memref<512x96xf32, #tpu.memory_space<vmem>>, %arg2: memref<16384x96xf32, #tpu.memory_space<vmem>>, %arg3: memref<8x512xi32, #tpu.memory_space<vmem>>, %arg4: memref<16384x1xf32, #tpu.memory_space<vmem>>) attributes {dimension_semantics = [#tpu.dimension_semantics<arbitrary>], iteration_bounds = array<i64: 8>, scalar_prefetch = 0 : i64, scratch_operands = 1 : i64, tpu.core_type = #tpu.core_type<tc>, window_params = [{transform_indices = @transform_0, window_bounds = array<i64: 512, 96>}, {pipeline_mode = #tpu.pipeline_mode<synchronous>, transform_indices = @transform_1, window_bounds = array<i64: 16384, 96>}, {transform_indices = @transform_2, window_bounds = array<i64: 8, 512>}]} {
    %get3A = arith.constant 0 : index
    %get3A_0 = arith.constant 0 : index
    %get3A_1 = vector.load %arg1[%get3A, %get3A_0] : memref<512x96xf32, #tpu.memory_space<vmem>>, vector<512x96xf32>
    %eq3A = arith.constant 0 : i32
    %eq3A_2 = arith.cmpi eq, %arg0, %eq3A : i32
    %convert_element_type3A = arith.extui %eq3A_2 : i1 to i32
    %cond3A = arith.constant 0 : i32
    %cond3A_3 = arith.cmpi ne, %convert_element_type3A, %cond3A : i32
    scf.if %cond3A_3 {
      %get3A_826 = arith.constant 0 : index
      %get3A_827 = arith.constant 0 : index
      %get3A_828 = vector.load %arg2[%get3A_826, %get3A_827] : memref<16384x96xf32, #tpu.memory_space<vmem>>, vector<2048x96xf32>
      %mul3A_829 = arith.mulf %get3A_828, %get3A_828 : vector<2048x96xf32>
      %reduce_sum3A = arith.constant dense<0.000000e+00> : vector<2048xf32>
      %reduce_sum3A_830 = vector.multi_reduction <add>, %mul3A_829, %reduce_sum3A [1] : vector<2048x96xf32> to vector<2048xf32>
      %broadcast_in_dim3A_831 = vector.shape_cast %reduce_sum3A_830 : vector<2048xf32> to vector<2048x1xf32>
      %swap3A_832 = arith.constant 0 : index
      %swap3A_833 = arith.constant 0 : index
      %swap3A_834 = vector.load %arg4[%swap3A_832, %swap3A_833] : memref<16384x1xf32, #tpu.memory_space<vmem>>, vector<2048x1xf32>
      tpu.vector_store %arg4[%swap3A_832, %swap3A_833], %broadcast_in_dim3A_831 {strides = array<i32>} : memref<16384x1xf32, #tpu.memory_space<vmem>>, vector<2048x1xf32>,
      %get3A_835 = arith.constant 2048 : index
      %get3A_836 = arith.constant 0 : index
      %get3A_837 = vector.load %arg2[%get3A_835, %get3A_836] : memref<16384x96xf32, #tpu.memory_space<vmem>>, vector<2048x96xf32>
      %mul3A_838 = arith.mulf %get3A_837, %get3A_837 : vector<2048x96xf32>
      %reduce_sum3A_839 = arith.constant dense<0.000000e+00> : vector<2048xf32>
      %reduce_sum3A_840 = vector.multi_reduction <add>, %mul3A_838, %reduce_sum3A_839 [1] : vector<2048x96xf32> to vector<2048xf32>
      %broadcast_in_dim3A_841 = vector.shape_cast %reduce_sum3A_840 : vector<2048xf32> to vector<2048x1xf32>
      %swap3A_842 = arith.constant 2048 : index
      %swap3A_843 = arith.constant 0 : index
      %swap3A_844 = vector.load %arg4[%swap3A_842, %swap3A_843] : memref<16384x1xf32, #tpu.memory_space<vmem>>, vector<2048x1xf32>
      tpu.vector_store %arg4[%swap3A_842, %swap3A_843], %broadcast_in_dim3A_841 {strides = array<i32>} : memref<16384x1xf32, #tpu.memory_space<vmem>>, vector<2048x1xf32>,
      %get3A_845 = arith.constant 4096 : index
      %get3A_846 = arith.constant 0 : index
      %get3A_847 = vector.load %arg2[%get3A_845, %get3A_846] : memref<16384x96xf32, #tpu.memory_space<vmem>>, vector<2048x96xf32>
      %mul3A_848 = arith.mulf %get3A_847, %get3A_847 : vector<2048x96xf32>
      %reduce_sum3A_849 = arith.constant dense<0.000000e+00> : vector<2048xf32>
      %reduce_sum3A_850 = vector.multi_reduction <add>, %mul3A_848, %reduce_sum3A_849 [1] : vector<2048x96xf32> to vector<2048xf32>
      %broadcast_in_dim3A_851 = vector.shape_cast %reduce_sum3A_850 : vector<2048xf32> to vector<2048x1xf32>
      %swap3A_852 = arith.constant 4096 : index
      %swap3A_853 = arith.constant 0 : index
      %swap3A_854 = vector.load %arg4[%swap3A_852, %swap3A_853] : memref<16384x1xf32, #tpu.memory_space<vmem>>, vector<2048x1xf32>
      tpu.vector_store %arg4[%swap3A_852, %swap3A_853], %broadcast_in_dim3A_851 {strides = array<i32>} : memref<16384x1xf32, #tpu.memory_space<vmem>>, vector<2048x1xf32>,
      %get3A_855 = arith.constant 6144 : index
      %get3A_856 = arith.constant 0 : index
      %get3A_857 = vector.load %arg2[%get3A_855, %get3A_856] : memref<16384x96xf32, #tpu.memory_space<vmem>>, vector<2048x96xf32>
      %mul3A_858 = arith.mulf %get3A_857, %get3A_857 : vector<2048x96xf32>
      %reduce_sum3A_859 = arith.constant dense<0.000000e+00> : vector<2048xf32>
      %reduce_sum3A_860 = vector.multi_reduction <add>, %mul3A_858, %reduce_sum3A_859 [1] : vector<2048x96xf32> to vector<2048xf32>
      %broadcast_in_dim3A_861 = vector.shape_cast %reduce_sum3A_860 : vector<2048xf32> to vector<2048x1xf32>
      %swap3A_862 = arith.constant 6144 : index
      %swap3A_863 = arith.constant 0 : index
      %swap3A_864 = vector.load %arg4[%swap3A_862, %swap3A_863] : memref<16384x1xf32, #tpu.memory_space<vmem>>, vector<2048x1xf32>
      tpu.vector_store %arg4[%swap3A_862, %swap3A_863], %broadcast_in_dim3A_861 {strides = array<i32>} : memref<16384x1xf32, #tpu.memory_space<vmem>>, vector<2048x1xf32>,
      %get3A_865 = arith.constant 8192 : index
      %get3A_866 = arith.constant 0 : index
      %get3A_867 = vector.load %arg2[%get3A_865, %get3A_866] : memref<16384x96xf32, #tpu.memory_space<vmem>>, vector<2048x96xf32>
      %mul3A_868 = arith.mulf %get3A_867, %get3A_867 : vector<2048x96xf32>
      %reduce_sum3A_869 = arith.constant dense<0.000000e+00> : vector<2048xf32>
      %reduce_sum3A_870 = vector.multi_reduction <add>, %mul3A_868, %reduce_sum3A_869 [1] : vector<2048x96xf32> to vector<2048xf32>
      %broadcast_in_dim3A_871 = vector.shape_cast %reduce_sum3A_870 : vector<2048xf32> to vector<2048x1xf32>
      %swap3A_872 = arith.constant 8192 : index
      %swap3A_873 = arith.constant 0 : index
      %swap3A_874 = vector.load %arg4[%swap3A_872, %swap3A_873] : memref<16384x1xf32, #tpu.memory_space<vmem>>, vector<2048x1xf32>
      tpu.vector_store %arg4[%swap3A_872, %swap3A_873], %broadcast_in_dim3A_871 {strides = array<i32>} : memref<16384x1xf32, #tpu.memory_space<vmem>>, vector<2048x1xf32>,
      %get3A_875 = arith.constant 10240 : index
      %get3A_876 = arith.constant 0 : index
      %get3A_877 = vector.load %arg2[%get3A_875, %get3A_876] : memref<16384x96xf32, #tpu.memory_space<vmem>>, vector<2048x96xf32>
      %mul3A_878 = arith.mulf %get3A_877, %get3A_877 : vector<2048x96xf32>
      %reduce_sum3A_879 = arith.constant dense<0.000000e+00> : vector<2048xf32>
      %reduce_sum3A_880 = vector.multi_reduction <add>, %mul3A_878, %reduce_sum3A_879 [1] : vector<2048x96xf32> to vector<2048xf32>
      %broadcast_in_dim3A_881 = vector.shape_cast %reduce_sum3A_880 : vector<2048xf32> to vector<2048x1xf32>
      %swap3A_882 = arith.constant 10240 : index
      %swap3A_883 = arith.constant 0 : index
      %swap3A_884 = vector.load %arg4[%swap3A_882, %swap3A_883] : memref<16384x1xf32, #tpu.memory_space<vmem>>, vector<2048x1xf32>
      tpu.vector_store %arg4[%swap3A_882, %swap3A_883], %broadcast_in_dim3A_881 {strides = array<i32>} : memref<16384x1xf32, #tpu.memory_space<vmem>>, vector<2048x1xf32>,
      %get3A_885 = arith.constant 12288 : index
      %get3A_886 = arith.constant 0 : index
      %get3A_887 = vector.load %arg2[%get3A_885, %get3A_886] : memref<16384x96xf32, #tpu.memory_space<vmem>>, vector<2048x96xf32>
      %mul3A_888 = arith.mulf %get3A_887, %get3A_887 : vector<2048x96xf32>
      %reduce_sum3A_889 = arith.constant dense<0.000000e+00> : vector<2048xf32>
      %reduce_sum3A_890 = vector.multi_reduction <add>, %mul3A_888, %reduce_sum3A_889 [1] : vector<2048x96xf32> to vector<2048xf32>
      %broadcast_in_dim3A_891 = vector.shape_cast %reduce_sum3A_890 : vector<2048xf32> to vector<2048x1xf32>
      %swap3A_892 = arith.constant 12288 : index
      %swap3A_893 = arith.constant 0 : index
      %swap3A_894 = vector.load %arg4[%swap3A_892, %swap3A_893] : memref<16384x1xf32, #tpu.memory_space<vmem>>, vector<2048x1xf32>
      tpu.vector_store %arg4[%swap3A_892, %swap3A_893], %broadcast_in_dim3A_891 {strides = array<i32>} : memref<16384x1xf32, #tpu.memory_space<vmem>>, vector<2048x1xf32>,
      %get3A_895 = arith.constant 14336 : index
      %get3A_896 = arith.constant 0 : index
      %get3A_897 = vector.load %arg2[%get3A_895, %get3A_896] : memref<16384x96xf32, #tpu.memory_space<vmem>>, vector<2048x96xf32>
      %mul3A_898 = arith.mulf %get3A_897, %get3A_897 : vector<2048x96xf32>
      %reduce_sum3A_899 = arith.constant dense<0.000000e+00> : vector<2048xf32>
      %reduce_sum3A_900 = vector.multi_reduction <add>, %mul3A_898, %reduce_sum3A_899 [1] : vector<2048x96xf32> to vector<2048xf32>
      %broadcast_in_dim3A_901 = vector.shape_cast %reduce_sum3A_900 : vector<2048xf32> to vector<2048x1xf32>
      %swap3A_902 = arith.constant 14336 : index
      %swap3A_903 = arith.constant 0 : index
      %swap3A_904 = vector.load %arg4[%swap3A_902, %swap3A_903] : memref<16384x1xf32, #tpu.memory_space<vmem>>, vector<2048x1xf32>
      tpu.vector_store %arg4[%swap3A_902, %swap3A_903], %broadcast_in_dim3A_901 {strides = array<i32>} : memref<16384x1xf32, #tpu.memory_space<vmem>>, vector<2048x1xf32>,
    } else {
    }
    %mul3A = arith.constant -2.000000e+00 : f32
    %mul3A_4 = vector.broadcast %mul3A : f32 to vector<512x96xf32>
    %mul3A_5 = arith.mulf %mul3A_4, %get3A_1 : vector<512x96xf32>
    %iota3A = tpu.iota {dimensions = array<i32: 0>} : vector<2048x512xi32>
    %jit3A = arith.constant 64 : i32
    %div3A = vector.broadcast %jit3A : i32 to vector<2048x512xi32>
    %div3A_6 = arith.divsi %iota3A, %div3A : vector<2048x512xi32>
    %sign3A = arith.constant 0 : i32
    %sign3A_7 = vector.broadcast %sign3A : i32 to vector<2048x512xi32>
    %sign3A_8 = arith.cmpi sgt, %iota3A, %sign3A_7 : vector<2048x512xi32>
    %sign3A_9 = arith.extui %sign3A_8 : vector<2048x512xi1> to vector<2048x512xi32>
    %sign3A_10 = arith.constant 0 : i32
    %sign3A_11 = vector.broadcast %sign3A_10 : i32 to vector<2048x512xi32>
    %sign3A_12 = arith.cmpi slt, %iota3A, %sign3A_11 : vector<2048x512xi32>
    %sign3A_13 = arith.extui %sign3A_12 : vector<2048x512xi1> to vector<2048x512xi32>
    %sign3A_14 = arith.subi %sign3A_9, %sign3A_13 : vector<2048x512xi32>
    %sign3A_15 = arith.constant 0 : i32
    %sign3A_16 = arith.cmpi sgt, %jit3A, %sign3A_15 : i32
    %sign3A_17 = arith.extui %sign3A_16 : i1 to i32
    %sign3A_18 = arith.constant 0 : i32
    %sign3A_19 = arith.cmpi slt, %jit3A, %sign3A_18 : i32
    %sign3A_20 = arith.extui %sign3A_19 : i1 to i32
    %sign3A_21 = arith.subi %sign3A_17, %sign3A_20 : i32
    %ne3A = vector.broadcast %sign3A_21 : i32 to vector<2048x512xi32>
    %ne3A_22 = arith.cmpi ne, %sign3A_14, %ne3A : vector<2048x512xi32>
    %rem3A = vector.broadcast %jit3A : i32 to vector<2048x512xi32>
    %rem3A_23 = arith.remsi %iota3A, %rem3A : vector<2048x512xi32>
    %ne3A_24 = arith.constant 0 : i32
    %ne3A_25 = vector.broadcast %ne3A_24 : i32 to vector<2048x512xi32>
    %ne3A_26 = arith.cmpi ne, %rem3A_23, %ne3A_25 : vector<2048x512xi32>
    %and3A = arith.andi %ne3A_22, %ne3A_26 : vector<2048x512xi1>
    %sub3A = arith.constant 1 : i32
    %sub3A_27 = vector.broadcast %sub3A : i32 to vector<2048x512xi32>
    %sub3A_28 = arith.subi %div3A_6, %sub3A_27 : vector<2048x512xi32>
    %select_n3A = arith.select %and3A, %sub3A_28, %div3A_6 : vector<2048x512xi1>, vector<2048x512xi32>
    %get3A_29 = arith.constant 0 : index
    %get3A_30 = arith.constant 0 : index
    %get3A_31 = vector.load %arg2[%get3A_29, %get3A_30] : memref<16384x96xf32, #tpu.memory_space<vmem>>, vector<2048x96xf32>
    %dot_general3A = arith.constant dense<0.000000e+00> : vector<2048x512xf32>
    %dot_general3A_32 = tpu.matmul %get3A_31, %mul3A_5, %dot_general3A {dimension_numbers = #tpu.dot_dimension_numbers<[1], [1], [0], [0], [0, 0, 1, 0], [], []>, transpose_lhs_hint = false} : vector<2048x96xf32>, vector<512x96xf32>, vector<2048x512xf32> -> vector<2048x512xf32>
    %get3A_33 = arith.constant 0 : index
    %get3A_34 = arith.constant 0 : index
    %get3A_35 = vector.load %arg4[%get3A_33, %get3A_34] : memref<16384x1xf32, #tpu.memory_space<vmem>>, vector<2048x1xf32>
    %add3A = vector.broadcast %get3A_35 : vector<2048x1xf32> to vector<2048x512xf32>
    %add3A_36 = arith.addf %add3A, %dot_general3A_32 : vector<2048x512xf32>
    %bitcast_convert_type3A = tpu.bitcast %add3A_36 : vector<2048x512xf32> -> vector<2048x512xi32>
    %shift_right_arithmetic3A = arith.constant 31 : i32
    %shift_right_arithmetic3A_37 = vector.broadcast %shift_right_arithmetic3A : i32 to vector<2048x512xi32>
    %shift_right_arithmetic3A_38 = arith.shrsi %bitcast_convert_type3A, %shift_right_arithmetic3A_37 : vector<2048x512xi32>
    %and3A_39 = arith.constant 2147483647 : i32
    %and3A_40 = vector.broadcast %and3A_39 : i32 to vector<2048x512xi32>
    %and3A_41 = arith.andi %shift_right_arithmetic3A_38, %and3A_40 : vector<2048x512xi32>
    %xor3A = arith.xori %bitcast_convert_type3A, %and3A_41 : vector<2048x512xi32>
    %and3A_42 = arith.constant -32 : i32
    %and3A_43 = vector.broadcast %and3A_42 : i32 to vector<2048x512xi32>
    %and3A_44 = arith.andi %xor3A, %and3A_43 : vector<2048x512xi32>
    %or3A = arith.ori %and3A_44, %select_n3A : vector<2048x512xi32>
    %slice3A = vector.extract_strided_slice %or3A {offsets = [0, 0], sizes = [1024, 512], strides = [1, 1]} : vector<2048x512xi32> to vector<1024x512xi32>
    %slice3A_45 = vector.extract_strided_slice %or3A {offsets = [1024, 0], sizes = [1024, 512], strides = [1, 1]} : vector<2048x512xi32> to vector<1024x512xi32>
    %min3A = arith.minsi %slice3A, %slice3A_45 : vector<1024x512xi32>
    %slice3A_46 = vector.extract_strided_slice %or3A {offsets = [0, 0], sizes = [1024, 512], strides = [1, 1]} : vector<2048x512xi32> to vector<1024x512xi32>
    %slice3A_47 = vector.extract_strided_slice %or3A {offsets = [1024, 0], sizes = [1024, 512], strides = [1, 1]} : vector<2048x512xi32> to vector<1024x512xi32>
    %max3A = arith.maxsi %slice3A_46, %slice3A_47 : vector<1024x512xi32>
    %slice3A_48 = vector.extract_strided_slice %min3A {offsets = [0, 0], sizes = [512, 512], strides = [1, 1]} : vector<1024x512xi32> to vector<512x512xi32>
    %slice3A_49 = vector.extract_strided_slice %min3A {offsets = [512, 0], sizes = [512, 512], strides = [1, 1]} : vector<1024x512xi32> to vector<512x512xi32>
    %min3A_50 = arith.minsi %slice3A_48, %slice3A_49 : vector<512x512xi32>
    %max3A_51 = arith.maxsi %slice3A_48, %slice3A_49 : vector<512x512xi32>
    %slice3A_52 = vector.extract_strided_slice %max3A {offsets = [0, 0], sizes = [512, 512], strides = [1, 1]} : vector<1024x512xi32> to vector<512x512xi32>
    %slice3A_53 = vector.extract_strided_slice %max3A {offsets = [512, 0], sizes = [512, 512], strides = [1, 1]} : vector<1024x512xi32> to vector<512x512xi32>
    %min3A_54 = arith.minsi %slice3A_52, %slice3A_53 : vector<512x512xi32>
    %min3A_55 = arith.minsi %max3A_51, %min3A_54 : vector<512x512xi32>
    %slice3A_56 = vector.extract_strided_slice %min3A_50 {offsets = [0, 0], sizes = [256, 512], strides = [1, 1]} : vector<512x512xi32> to vector<256x512xi32>
    %slice3A_57 = vector.extract_strided_slice %min3A_50 {offsets = [256, 0], sizes = [256, 512], strides = [1, 1]} : vector<512x512xi32> to vector<256x512xi32>
    %min3A_58 = arith.minsi %slice3A_56, %slice3A_57 : vector<256x512xi32>
    %max3A_59 = arith.maxsi %slice3A_56, %slice3A_57 : vector<256x512xi32>
    %slice3A_60 = vector.extract_strided_slice %min3A_55 {offsets = [0, 0], sizes = [256, 512], strides = [1, 1]} : vector<512x512xi32> to vector<256x512xi32>
    %slice3A_61 = vector.extract_strided_slice %min3A_55 {offsets = [256, 0], sizes = [256, 512], strides = [1, 1]} : vector<512x512xi32> to vector<256x512xi32>
    %min3A_62 = arith.minsi %slice3A_60, %slice3A_61 : vector<256x512xi32>
    %min3A_63 = arith.minsi %max3A_59, %min3A_62 : vector<256x512xi32>
    %slice3A_64 = vector.extract_strided_slice %min3A_58 {offsets = [0, 0], sizes = [128, 512], strides = [1, 1]} : vector<256x512xi32> to vector<128x512xi32>
    %slice3A_65 = vector.extract_strided_slice %min3A_58 {offsets = [128, 0], sizes = [128, 512], strides = [1, 1]} : vector<256x512xi32> to vector<128x512xi32>
    %min3A_66 = arith.minsi %slice3A_64, %slice3A_65 : vector<128x512xi32>
    %max3A_67 = arith.maxsi %slice3A_64, %slice3A_65 : vector<128x512xi32>
    %slice3A_68 = vector.extract_strided_slice %min3A_63 {offsets = [0, 0], sizes = [128, 512], strides = [1, 1]} : vector<256x512xi32> to vector<128x512xi32>
    %slice3A_69 = vector.extract_strided_slice %min3A_63 {offsets = [128, 0], sizes = [128, 512], strides = [1, 1]} : vector<256x512xi32> to vector<128x512xi32>
    %min3A_70 = arith.minsi %slice3A_68, %slice3A_69 : vector<128x512xi32>
    %min3A_71 = arith.minsi %max3A_67, %min3A_70 : vector<128x512xi32>
    %slice3A_72 = vector.extract_strided_slice %min3A_66 {offsets = [0, 0], sizes = [64, 512], strides = [1, 1]} : vector<128x512xi32> to vector<64x512xi32>
    %slice3A_73 = vector.extract_strided_slice %min3A_66 {offsets = [64, 0], sizes = [64, 512], strides = [1, 1]} : vector<128x512xi32> to vector<64x512xi32>
    %min3A_74 = arith.minsi %slice3A_72, %slice3A_73 : vector<64x512xi32>
    %max3A_75 = arith.maxsi %slice3A_72, %slice3A_73 : vector<64x512xi32>
    %slice3A_76 = vector.extract_strided_slice %min3A_71 {offsets = [0, 0], sizes = [64, 512], strides = [1, 1]} : vector<128x512xi32> to vector<64x512xi32>
    %slice3A_77 = vector.extract_strided_slice %min3A_71 {offsets = [64, 0], sizes = [64, 512], strides = [1, 1]} : vector<128x512xi32> to vector<64x512xi32>
    %min3A_78 = arith.minsi %slice3A_76, %slice3A_77 : vector<64x512xi32>
    %min3A_79 = arith.minsi %max3A_75, %min3A_78 : vector<64x512xi32>
    %concatenate3A = tpu.concatenate %min3A_74, %min3A_79 in 0 : vector<64x512xi32>, vector<64x512xi32> -> vector<128x512xi32>
    %get3A_80 = arith.constant 2048 : index
    %get3A_81 = arith.constant 0 : index
    %get3A_82 = vector.load %arg2[%get3A_80, %get3A_81] : memref<16384x96xf32, #tpu.memory_space<vmem>>, vector<2048x96xf32>
    %dot_general3A_83 = arith.constant dense<0.000000e+00> : vector<2048x512xf32>
    %dot_general3A_84 = tpu.matmul %get3A_82, %mul3A_5, %dot_general3A_83 {dimension_numbers = #tpu.dot_dimension_numbers<[1], [1], [0], [0], [0, 0, 1, 0], [], []>, transpose_lhs_hint = false} : vector<2048x96xf32>, vector<512x96xf32>, vector<2048x512xf32> -> vector<2048x512xf32>
    %get3A_85 = arith.constant 2048 : index
    %get3A_86 = arith.constant 0 : index
    %get3A_87 = vector.load %arg4[%get3A_85, %get3A_86] : memref<16384x1xf32, #tpu.memory_space<vmem>>, vector<2048x1xf32>
    %add3A_88 = vector.broadcast %get3A_87 : vector<2048x1xf32> to vector<2048x512xf32>
    %add3A_89 = arith.addf %add3A_88, %dot_general3A_84 : vector<2048x512xf32>
    %bitcast_convert_type3A_90 = tpu.bitcast %add3A_89 : vector<2048x512xf32> -> vector<2048x512xi32>
    %shift_right_arithmetic3A_91 = arith.constant 31 : i32
    %shift_right_arithmetic3A_92 = vector.broadcast %shift_right_arithmetic3A_91 : i32 to vector<2048x512xi32>
    %shift_right_arithmetic3A_93 = arith.shrsi %bitcast_convert_type3A_90, %shift_right_arithmetic3A_92 : vector<2048x512xi32>
    %and3A_94 = arith.constant 2147483647 : i32
    %and3A_95 = vector.broadcast %and3A_94 : i32 to vector<2048x512xi32>
    %and3A_96 = arith.andi %shift_right_arithmetic3A_93, %and3A_95 : vector<2048x512xi32>
    %xor3A_97 = arith.xori %bitcast_convert_type3A_90, %and3A_96 : vector<2048x512xi32>
    %and3A_98 = arith.constant -32 : i32
    %and3A_99 = vector.broadcast %and3A_98 : i32 to vector<2048x512xi32>
    %and3A_100 = arith.andi %xor3A_97, %and3A_99 : vector<2048x512xi32>
    %or3A_101 = arith.ori %and3A_100, %select_n3A : vector<2048x512xi32>
    %slice3A_102 = vector.extract_strided_slice %or3A_101 {offsets = [0, 0], sizes = [1024, 512], strides = [1, 1]} : vector<2048x512xi32> to vector<1024x512xi32>
    %slice3A_103 = vector.extract_strided_slice %or3A_101 {offsets = [1024, 0], sizes = [1024, 512], strides = [1, 1]} : vector<2048x512xi32> to vector<1024x512xi32>
    %min3A_104 = arith.minsi %slice3A_102, %slice3A_103 : vector<1024x512xi32>
    %slice3A_105 = vector.extract_strided_slice %or3A_101 {offsets = [0, 0], sizes = [1024, 512], strides = [1, 1]} : vector<2048x512xi32> to vector<1024x512xi32>
    %slice3A_106 = vector.extract_strided_slice %or3A_101 {offsets = [1024, 0], sizes = [1024, 512], strides = [1, 1]} : vector<2048x512xi32> to vector<1024x512xi32>
    %max3A_107 = arith.maxsi %slice3A_105, %slice3A_106 : vector<1024x512xi32>
    %slice3A_108 = vector.extract_strided_slice %min3A_104 {offsets = [0, 0], sizes = [512, 512], strides = [1, 1]} : vector<1024x512xi32> to vector<512x512xi32>
    %slice3A_109 = vector.extract_strided_slice %min3A_104 {offsets = [512, 0], sizes = [512, 512], strides = [1, 1]} : vector<1024x512xi32> to vector<512x512xi32>
    %min3A_110 = arith.minsi %slice3A_108, %slice3A_109 : vector<512x512xi32>
    %max3A_111 = arith.maxsi %slice3A_108, %slice3A_109 : vector<512x512xi32>
    %slice3A_112 = vector.extract_strided_slice %max3A_107 {offsets = [0, 0], sizes = [512, 512], strides = [1, 1]} : vector<1024x512xi32> to vector<512x512xi32>
    %slice3A_113 = vector.extract_strided_slice %max3A_107 {offsets = [512, 0], sizes = [512, 512], strides = [1, 1]} : vector<1024x512xi32> to vector<512x512xi32>
    %min3A_114 = arith.minsi %slice3A_112, %slice3A_113 : vector<512x512xi32>
    %min3A_115 = arith.minsi %max3A_111, %min3A_114 : vector<512x512xi32>
    %slice3A_116 = vector.extract_strided_slice %min3A_110 {offsets = [0, 0], sizes = [256, 512], strides = [1, 1]} : vector<512x512xi32> to vector<256x512xi32>
    %slice3A_117 = vector.extract_strided_slice %min3A_110 {offsets = [256, 0], sizes = [256, 512], strides = [1, 1]} : vector<512x512xi32> to vector<256x512xi32>
    %min3A_118 = arith.minsi %slice3A_116, %slice3A_117 : vector<256x512xi32>
    %max3A_119 = arith.maxsi %slice3A_116, %slice3A_117 : vector<256x512xi32>
    %slice3A_120 = vector.extract_strided_slice %min3A_115 {offsets = [0, 0], sizes = [256, 512], strides = [1, 1]} : vector<512x512xi32> to vector<256x512xi32>
    %slice3A_121 = vector.extract_strided_slice %min3A_115 {offsets = [256, 0], sizes = [256, 512], strides = [1, 1]} : vector<512x512xi32> to vector<256x512xi32>
    %min3A_122 = arith.minsi %slice3A_120, %slice3A_121 : vector<256x512xi32>
    %min3A_123 = arith.minsi %max3A_119, %min3A_122 : vector<256x512xi32>
    %slice3A_124 = vector.extract_strided_slice %min3A_118 {offsets = [0, 0], sizes = [128, 512], strides = [1, 1]} : vector<256x512xi32> to vector<128x512xi32>
    %slice3A_125 = vector.extract_strided_slice %min3A_118 {offsets = [128, 0], sizes = [128, 512], strides = [1, 1]} : vector<256x512xi32> to vector<128x512xi32>
    %min3A_126 = arith.minsi %slice3A_124, %slice3A_125 : vector<128x512xi32>
    %max3A_127 = arith.maxsi %slice3A_124, %slice3A_125 : vector<128x512xi32>
    %slice3A_128 = vector.extract_strided_slice %min3A_123 {offsets = [0, 0], sizes = [128, 512], strides = [1, 1]} : vector<256x512xi32> to vector<128x512xi32>
    %slice3A_129 = vector.extract_strided_slice %min3A_123 {offsets = [128, 0], sizes = [128, 512], strides = [1, 1]} : vector<256x512xi32> to vector<128x512xi32>
    %min3A_130 = arith.minsi %slice3A_128, %slice3A_129 : vector<128x512xi32>
    %min3A_131 = arith.minsi %max3A_127, %min3A_130 : vector<128x512xi32>
    %slice3A_132 = vector.extract_strided_slice %min3A_126 {offsets = [0, 0], sizes = [64, 512], strides = [1, 1]} : vector<128x512xi32> to vector<64x512xi32>
    %slice3A_133 = vector.extract_strided_slice %min3A_126 {offsets = [64, 0], sizes = [64, 512], strides = [1, 1]} : vector<128x512xi32> to vector<64x512xi32>
    %min3A_134 = arith.minsi %slice3A_132, %slice3A_133 : vector<64x512xi32>
    %max3A_135 = arith.maxsi %slice3A_132, %slice3A_133 : vector<64x512xi32>
    %slice3A_136 = vector.extract_strided_slice %min3A_131 {offsets = [0, 0], sizes = [64, 512], strides = [1, 1]} : vector<128x512xi32> to vector<64x512xi32>
    %slice3A_137 = vector.extract_strided_slice %min3A_131 {offsets = [64, 0], sizes = [64, 512], strides = [1, 1]} : vector<128x512xi32> to vector<64x512xi32>
    %min3A_138 = arith.minsi %slice3A_136, %slice3A_137 : vector<64x512xi32>
    %min3A_139 = arith.minsi %max3A_135, %min3A_138 : vector<64x512xi32>
    %concatenate3A_140 = tpu.concatenate %min3A_134, %min3A_139 in 0 : vector<64x512xi32>, vector<64x512xi32> -> vector<128x512xi32>
    %get3A_141 = arith.constant 4096 : index
    %get3A_142 = arith.constant 0 : index
    %get3A_143 = vector.load %arg2[%get3A_141, %get3A_142] : memref<16384x96xf32, #tpu.memory_space<vmem>>, vector<2048x96xf32>
    %dot_general3A_144 = arith.constant dense<0.000000e+00> : vector<2048x512xf32>
    %dot_general3A_145 = tpu.matmul %get3A_143, %mul3A_5, %dot_general3A_144 {dimension_numbers = #tpu.dot_dimension_numbers<[1], [1], [0], [0], [0, 0, 1, 0], [], []>, transpose_lhs_hint = false} : vector<2048x96xf32>, vector<512x96xf32>, vector<2048x512xf32> -> vector<2048x512xf32>
    %get3A_146 = arith.constant 4096 : index
    %get3A_147 = arith.constant 0 : index
    %get3A_148 = vector.load %arg4[%get3A_146, %get3A_147] : memref<16384x1xf32, #tpu.memory_space<vmem>>, vector<2048x1xf32>
    %add3A_149 = vector.broadcast %get3A_148 : vector<2048x1xf32> to vector<2048x512xf32>
    %add3A_150 = arith.addf %add3A_149, %dot_general3A_145 : vector<2048x512xf32>
    %bitcast_convert_type3A_151 = tpu.bitcast %add3A_150 : vector<2048x512xf32> -> vector<2048x512xi32>
    %shift_right_arithmetic3A_152 = arith.constant 31 : i32
    %shift_right_arithmetic3A_153 = vector.broadcast %shift_right_arithmetic3A_152 : i32 to vector<2048x512xi32>
    %shift_right_arithmetic3A_154 = arith.shrsi %bitcast_convert_type3A_151, %shift_right_arithmetic3A_153 : vector<2048x512xi32>
    %and3A_155 = arith.constant 2147483647 : i32
    %and3A_156 = vector.broadcast %and3A_155 : i32 to vector<2048x512xi32>
    %and3A_157 = arith.andi %shift_right_arithmetic3A_154, %and3A_156 : vector<2048x512xi32>
    %xor3A_158 = arith.xori %bitcast_convert_type3A_151, %and3A_157 : vector<2048x512xi32>
    %and3A_159 = arith.constant -32 : i32
    %and3A_160 = vector.broadcast %and3A_159 : i32 to vector<2048x512xi32>
    %and3A_161 = arith.andi %xor3A_158, %and3A_160 : vector<2048x512xi32>
    %or3A_162 = arith.ori %and3A_161, %select_n3A : vector<2048x512xi32>
    %slice3A_163 = vector.extract_strided_slice %or3A_162 {offsets = [0, 0], sizes = [1024, 512], strides = [1, 1]} : vector<2048x512xi32> to vector<1024x512xi32>
    %slice3A_164 = vector.extract_strided_slice %or3A_162 {offsets = [1024, 0], sizes = [1024, 512], strides = [1, 1]} : vector<2048x512xi32> to vector<1024x512xi32>
    %min3A_165 = arith.minsi %slice3A_163, %slice3A_164 : vector<1024x512xi32>
    %slice3A_166 = vector.extract_strided_slice %or3A_162 {offsets = [0, 0], sizes = [1024, 512], strides = [1, 1]} : vector<2048x512xi32> to vector<1024x512xi32>
    %slice3A_167 = vector.extract_strided_slice %or3A_162 {offsets = [1024, 0], sizes = [1024, 512], strides = [1, 1]} : vector<2048x512xi32> to vector<1024x512xi32>
    %max3A_168 = arith.maxsi %slice3A_166, %slice3A_167 : vector<1024x512xi32>
    %slice3A_169 = vector.extract_strided_slice %min3A_165 {offsets = [0, 0], sizes = [512, 512], strides = [1, 1]} : vector<1024x512xi32> to vector<512x512xi32>
    %slice3A_170 = vector.extract_strided_slice %min3A_165 {offsets = [512, 0], sizes = [512, 512], strides = [1, 1]} : vector<1024x512xi32> to vector<512x512xi32>
    %min3A_171 = arith.minsi %slice3A_169, %slice3A_170 : vector<512x512xi32>
    %max3A_172 = arith.maxsi %slice3A_169, %slice3A_170 : vector<512x512xi32>
    %slice3A_173 = vector.extract_strided_slice %max3A_168 {offsets = [0, 0], sizes = [512, 512], strides = [1, 1]} : vector<1024x512xi32> to vector<512x512xi32>
    %slice3A_174 = vector.extract_strided_slice %max3A_168 {offsets = [512, 0], sizes = [512, 512], strides = [1, 1]} : vector<1024x512xi32> to vector<512x512xi32>
    %min3A_175 = arith.minsi %slice3A_173, %slice3A_174 : vector<512x512xi32>
    %min3A_176 = arith.minsi %max3A_172, %min3A_175 : vector<512x512xi32>
    %slice3A_177 = vector.extract_strided_slice %min3A_171 {offsets = [0, 0], sizes = [256, 512], strides = [1, 1]} : vector<512x512xi32> to vector<256x512xi32>
    %slice3A_178 = vector.extract_strided_slice %min3A_171 {offsets = [256, 0], sizes = [256, 512], strides = [1, 1]} : vector<512x512xi32> to vector<256x512xi32>
    %min3A_179 = arith.minsi %slice3A_177, %slice3A_178 : vector<256x512xi32>
    %max3A_180 = arith.maxsi %slice3A_177, %slice3A_178 : vector<256x512xi32>
    %slice3A_181 = vector.extract_strided_slice %min3A_176 {offsets = [0, 0], sizes = [256, 512], strides = [1, 1]} : vector<512x512xi32> to vector<256x512xi32>
    %slice3A_182 = vector.extract_strided_slice %min3A_176 {offsets = [256, 0], sizes = [256, 512], strides = [1, 1]} : vector<512x512xi32> to vector<256x512xi32>
    %min3A_183 = arith.minsi %slice3A_181, %slice3A_182 : vector<256x512xi32>
    %min3A_184 = arith.minsi %max3A_180, %min3A_183 : vector<256x512xi32>
    %slice3A_185 = vector.extract_strided_slice %min3A_179 {offsets = [0, 0], sizes = [128, 512], strides = [1, 1]} : vector<256x512xi32> to vector<128x512xi32>
    %slice3A_186 = vector.extract_strided_slice %min3A_179 {offsets = [128, 0], sizes = [128, 512], strides = [1, 1]} : vector<256x512xi32> to vector<128x512xi32>
    %min3A_187 = arith.minsi %slice3A_185, %slice3A_186 : vector<128x512xi32>
    %max3A_188 = arith.maxsi %slice3A_185, %slice3A_186 : vector<128x512xi32>
    %slice3A_189 = vector.extract_strided_slice %min3A_184 {offsets = [0, 0], sizes = [128, 512], strides = [1, 1]} : vector<256x512xi32> to vector<128x512xi32>
    %slice3A_190 = vector.extract_strided_slice %min3A_184 {offsets = [128, 0], sizes = [128, 512], strides = [1, 1]} : vector<256x512xi32> to vector<128x512xi32>
    %min3A_191 = arith.minsi %slice3A_189, %slice3A_190 : vector<128x512xi32>
    %min3A_192 = arith.minsi %max3A_188, %min3A_191 : vector<128x512xi32>
    %slice3A_193 = vector.extract_strided_slice %min3A_187 {offsets = [0, 0], sizes = [64, 512], strides = [1, 1]} : vector<128x512xi32> to vector<64x512xi32>
    %slice3A_194 = vector.extract_strided_slice %min3A_187 {offsets = [64, 0], sizes = [64, 512], strides = [1, 1]} : vector<128x512xi32> to vector<64x512xi32>
    %min3A_195 = arith.minsi %slice3A_193, %slice3A_194 : vector<64x512xi32>
    %max3A_196 = arith.maxsi %slice3A_193, %slice3A_194 : vector<64x512xi32>
    %slice3A_197 = vector.extract_strided_slice %min3A_192 {offsets = [0, 0], sizes = [64, 512], strides = [1, 1]} : vector<128x512xi32> to vector<64x512xi32>
    %slice3A_198 = vector.extract_strided_slice %min3A_192 {offsets = [64, 0], sizes = [64, 512], strides = [1, 1]} : vector<128x512xi32> to vector<64x512xi32>
    %min3A_199 = arith.minsi %slice3A_197, %slice3A_198 : vector<64x512xi32>
    %min3A_200 = arith.minsi %max3A_196, %min3A_199 : vector<64x512xi32>
    %concatenate3A_201 = tpu.concatenate %min3A_195, %min3A_200 in 0 : vector<64x512xi32>, vector<64x512xi32> -> vector<128x512xi32>
    %get3A_202 = arith.constant 6144 : index
    %get3A_203 = arith.constant 0 : index
    %get3A_204 = vector.load %arg2[%get3A_202, %get3A_203] : memref<16384x96xf32, #tpu.memory_space<vmem>>, vector<2048x96xf32>
    %dot_general3A_205 = arith.constant dense<0.000000e+00> : vector<2048x512xf32>
    %dot_general3A_206 = tpu.matmul %get3A_204, %mul3A_5, %dot_general3A_205 {dimension_numbers = #tpu.dot_dimension_numbers<[1], [1], [0], [0], [0, 0, 1, 0], [], []>, transpose_lhs_hint = false} : vector<2048x96xf32>, vector<512x96xf32>, vector<2048x512xf32> -> vector<2048x512xf32>
    %get3A_207 = arith.constant 6144 : index
    %get3A_208 = arith.constant 0 : index
    %get3A_209 = vector.load %arg4[%get3A_207, %get3A_208] : memref<16384x1xf32, #tpu.memory_space<vmem>>, vector<2048x1xf32>
    %add3A_210 = vector.broadcast %get3A_209 : vector<2048x1xf32> to vector<2048x512xf32>
    %add3A_211 = arith.addf %add3A_210, %dot_general3A_206 : vector<2048x512xf32>
    %bitcast_convert_type3A_212 = tpu.bitcast %add3A_211 : vector<2048x512xf32> -> vector<2048x512xi32>
    %shift_right_arithmetic3A_213 = arith.constant 31 : i32
    %shift_right_arithmetic3A_214 = vector.broadcast %shift_right_arithmetic3A_213 : i32 to vector<2048x512xi32>
    %shift_right_arithmetic3A_215 = arith.shrsi %bitcast_convert_type3A_212, %shift_right_arithmetic3A_214 : vector<2048x512xi32>
    %and3A_216 = arith.constant 2147483647 : i32
    %and3A_217 = vector.broadcast %and3A_216 : i32 to vector<2048x512xi32>
    %and3A_218 = arith.andi %shift_right_arithmetic3A_215, %and3A_217 : vector<2048x512xi32>
    %xor3A_219 = arith.xori %bitcast_convert_type3A_212, %and3A_218 : vector<2048x512xi32>
    %and3A_220 = arith.constant -32 : i32
    %and3A_221 = vector.broadcast %and3A_220 : i32 to vector<2048x512xi32>
    %and3A_222 = arith.andi %xor3A_219, %and3A_221 : vector<2048x512xi32>
    %or3A_223 = arith.ori %and3A_222, %select_n3A : vector<2048x512xi32>
    %slice3A_224 = vector.extract_strided_slice %or3A_223 {offsets = [0, 0], sizes = [1024, 512], strides = [1, 1]} : vector<2048x512xi32> to vector<1024x512xi32>
    %slice3A_225 = vector.extract_strided_slice %or3A_223 {offsets = [1024, 0], sizes = [1024, 512], strides = [1, 1]} : vector<2048x512xi32> to vector<1024x512xi32>
    %min3A_226 = arith.minsi %slice3A_224, %slice3A_225 : vector<1024x512xi32>
    %slice3A_227 = vector.extract_strided_slice %or3A_223 {offsets = [0, 0], sizes = [1024, 512], strides = [1, 1]} : vector<2048x512xi32> to vector<1024x512xi32>
    %slice3A_228 = vector.extract_strided_slice %or3A_223 {offsets = [1024, 0], sizes = [1024, 512], strides = [1, 1]} : vector<2048x512xi32> to vector<1024x512xi32>
    %max3A_229 = arith.maxsi %slice3A_227, %slice3A_228 : vector<1024x512xi32>
    %slice3A_230 = vector.extract_strided_slice %min3A_226 {offsets = [0, 0], sizes = [512, 512], strides = [1, 1]} : vector<1024x512xi32> to vector<512x512xi32>
    %slice3A_231 = vector.extract_strided_slice %min3A_226 {offsets = [512, 0], sizes = [512, 512], strides = [1, 1]} : vector<1024x512xi32> to vector<512x512xi32>
    %min3A_232 = arith.minsi %slice3A_230, %slice3A_231 : vector<512x512xi32>
    %max3A_233 = arith.maxsi %slice3A_230, %slice3A_231 : vector<512x512xi32>
    %slice3A_234 = vector.extract_strided_slice %max3A_229 {offsets = [0, 0], sizes = [512, 512], strides = [1, 1]} : vector<1024x512xi32> to vector<512x512xi32>
    %slice3A_235 = vector.extract_strided_slice %max3A_229 {offsets = [512, 0], sizes = [512, 512], strides = [1, 1]} : vector<1024x512xi32> to vector<512x512xi32>
    %min3A_236 = arith.minsi %slice3A_234, %slice3A_235 : vector<512x512xi32>
    %min3A_237 = arith.minsi %max3A_233, %min3A_236 : vector<512x512xi32>
    %slice3A_238 = vector.extract_strided_slice %min3A_232 {offsets = [0, 0], sizes = [256, 512], strides = [1, 1]} : vector<512x512xi32> to vector<256x512xi32>
    %slice3A_239 = vector.extract_strided_slice %min3A_232 {offsets = [256, 0], sizes = [256, 512], strides = [1, 1]} : vector<512x512xi32> to vector<256x512xi32>
    %min3A_240 = arith.minsi %slice3A_238, %slice3A_239 : vector<256x512xi32>
    %max3A_241 = arith.maxsi %slice3A_238, %slice3A_239 : vector<256x512xi32>
    %slice3A_242 = vector.extract_strided_slice %min3A_237 {offsets = [0, 0], sizes = [256, 512], strides = [1, 1]} : vector<512x512xi32> to vector<256x512xi32>
    %slice3A_243 = vector.extract_strided_slice %min3A_237 {offsets = [256, 0], sizes = [256, 512], strides = [1, 1]} : vector<512x512xi32> to vector<256x512xi32>
    %min3A_244 = arith.minsi %slice3A_242, %slice3A_243 : vector<256x512xi32>
    %min3A_245 = arith.minsi %max3A_241, %min3A_244 : vector<256x512xi32>
    %slice3A_246 = vector.extract_strided_slice %min3A_240 {offsets = [0, 0], sizes = [128, 512], strides = [1, 1]} : vector<256x512xi32> to vector<128x512xi32>
    %slice3A_247 = vector.extract_strided_slice %min3A_240 {offsets = [128, 0], sizes = [128, 512], strides = [1, 1]} : vector<256x512xi32> to vector<128x512xi32>
    %min3A_248 = arith.minsi %slice3A_246, %slice3A_247 : vector<128x512xi32>
    %max3A_249 = arith.maxsi %slice3A_246, %slice3A_247 : vector<128x512xi32>
    %slice3A_250 = vector.extract_strided_slice %min3A_245 {offsets = [0, 0], sizes = [128, 512], strides = [1, 1]} : vector<256x512xi32> to vector<128x512xi32>
    %slice3A_251 = vector.extract_strided_slice %min3A_245 {offsets = [128, 0], sizes = [128, 512], strides = [1, 1]} : vector<256x512xi32> to vector<128x512xi32>
    %min3A_252 = arith.minsi %slice3A_250, %slice3A_251 : vector<128x512xi32>
    %min3A_253 = arith.minsi %max3A_249, %min3A_252 : vector<128x512xi32>
    %slice3A_254 = vector.extract_strided_slice %min3A_248 {offsets = [0, 0], sizes = [64, 512], strides = [1, 1]} : vector<128x512xi32> to vector<64x512xi32>
    %slice3A_255 = vector.extract_strided_slice %min3A_248 {offsets = [64, 0], sizes = [64, 512], strides = [1, 1]} : vector<128x512xi32> to vector<64x512xi32>
    %min3A_256 = arith.minsi %slice3A_254, %slice3A_255 : vector<64x512xi32>
    %max3A_257 = arith.maxsi %slice3A_254, %slice3A_255 : vector<64x512xi32>
    %slice3A_258 = vector.extract_strided_slice %min3A_253 {offsets = [0, 0], sizes = [64, 512], strides = [1, 1]} : vector<128x512xi32> to vector<64x512xi32>
    %slice3A_259 = vector.extract_strided_slice %min3A_253 {offsets = [64, 0], sizes = [64, 512], strides = [1, 1]} : vector<128x512xi32> to vector<64x512xi32>
    %min3A_260 = arith.minsi %slice3A_258, %slice3A_259 : vector<64x512xi32>
    %min3A_261 = arith.minsi %max3A_257, %min3A_260 : vector<64x512xi32>
    %concatenate3A_262 = tpu.concatenate %min3A_256, %min3A_261 in 0 : vector<64x512xi32>, vector<64x512xi32> -> vector<128x512xi32>
    %get3A_263 = arith.constant 8192 : index
    %get3A_264 = arith.constant 0 : index
    %get3A_265 = vector.load %arg2[%get3A_263, %get3A_264] : memref<16384x96xf32, #tpu.memory_space<vmem>>, vector<2048x96xf32>
    %dot_general3A_266 = arith.constant dense<0.000000e+00> : vector<2048x512xf32>
    %dot_general3A_267 = tpu.matmul %get3A_265, %mul3A_5, %dot_general3A_266 {dimension_numbers = #tpu.dot_dimension_numbers<[1], [1], [0], [0], [0, 0, 1, 0], [], []>, transpose_lhs_hint = false} : vector<2048x96xf32>, vector<512x96xf32>, vector<2048x512xf32> -> vector<2048x512xf32>
    %get3A_268 = arith.constant 8192 : index
    %get3A_269 = arith.constant 0 : index
    %get3A_270 = vector.load %arg4[%get3A_268, %get3A_269] : memref<16384x1xf32, #tpu.memory_space<vmem>>, vector<2048x1xf32>
    %add3A_271 = vector.broadcast %get3A_270 : vector<2048x1xf32> to vector<2048x512xf32>
    %add3A_272 = arith.addf %add3A_271, %dot_general3A_267 : vector<2048x512xf32>
    %bitcast_convert_type3A_273 = tpu.bitcast %add3A_272 : vector<2048x512xf32> -> vector<2048x512xi32>
    %shift_right_arithmetic3A_274 = arith.constant 31 : i32
    %shift_right_arithmetic3A_275 = vector.broadcast %shift_right_arithmetic3A_274 : i32 to vector<2048x512xi32>
    %shift_right_arithmetic3A_276 = arith.shrsi %bitcast_convert_type3A_273, %shift_right_arithmetic3A_275 : vector<2048x512xi32>
    %and3A_277 = arith.constant 2147483647 : i32
    %and3A_278 = vector.broadcast %and3A_277 : i32 to vector<2048x512xi32>
    %and3A_279 = arith.andi %shift_right_arithmetic3A_276, %and3A_278 : vector<2048x512xi32>
    %xor3A_280 = arith.xori %bitcast_convert_type3A_273, %and3A_279 : vector<2048x512xi32>
    %and3A_281 = arith.constant -32 : i32
    %and3A_282 = vector.broadcast %and3A_281 : i32 to vector<2048x512xi32>
    %and3A_283 = arith.andi %xor3A_280, %and3A_282 : vector<2048x512xi32>
    %or3A_284 = arith.ori %and3A_283, %select_n3A : vector<2048x512xi32>
    %slice3A_285 = vector.extract_strided_slice %or3A_284 {offsets = [0, 0], sizes = [1024, 512], strides = [1, 1]} : vector<2048x512xi32> to vector<1024x512xi32>
    %slice3A_286 = vector.extract_strided_slice %or3A_284 {offsets = [1024, 0], sizes = [1024, 512], strides = [1, 1]} : vector<2048x512xi32> to vector<1024x512xi32>
    %min3A_287 = arith.minsi %slice3A_285, %slice3A_286 : vector<1024x512xi32>
    %slice3A_288 = vector.extract_strided_slice %or3A_284 {offsets = [0, 0], sizes = [1024, 512], strides = [1, 1]} : vector<2048x512xi32> to vector<1024x512xi32>
    %slice3A_289 = vector.extract_strided_slice %or3A_284 {offsets = [1024, 0], sizes = [1024, 512], strides = [1, 1]} : vector<2048x512xi32> to vector<1024x512xi32>
    %max3A_290 = arith.maxsi %slice3A_288, %slice3A_289 : vector<1024x512xi32>
    %slice3A_291 = vector.extract_strided_slice %min3A_287 {offsets = [0, 0], sizes = [512, 512], strides = [1, 1]} : vector<1024x512xi32> to vector<512x512xi32>
    %slice3A_292 = vector.extract_strided_slice %min3A_287 {offsets = [512, 0], sizes = [512, 512], strides = [1, 1]} : vector<1024x512xi32> to vector<512x512xi32>
    %min3A_293 = arith.minsi %slice3A_291, %slice3A_292 : vector<512x512xi32>
    %max3A_294 = arith.maxsi %slice3A_291, %slice3A_292 : vector<512x512xi32>
    %slice3A_295 = vector.extract_strided_slice %max3A_290 {offsets = [0, 0], sizes = [512, 512], strides = [1, 1]} : vector<1024x512xi32> to vector<512x512xi32>
    %slice3A_296 = vector.extract_strided_slice %max3A_290 {offsets = [512, 0], sizes = [512, 512], strides = [1, 1]} : vector<1024x512xi32> to vector<512x512xi32>
    %min3A_297 = arith.minsi %slice3A_295, %slice3A_296 : vector<512x512xi32>
    %min3A_298 = arith.minsi %max3A_294, %min3A_297 : vector<512x512xi32>
    %slice3A_299 = vector.extract_strided_slice %min3A_293 {offsets = [0, 0], sizes = [256, 512], strides = [1, 1]} : vector<512x512xi32> to vector<256x512xi32>
    %slice3A_300 = vector.extract_strided_slice %min3A_293 {offsets = [256, 0], sizes = [256, 512], strides = [1, 1]} : vector<512x512xi32> to vector<256x512xi32>
    %min3A_301 = arith.minsi %slice3A_299, %slice3A_300 : vector<256x512xi32>
    %max3A_302 = arith.maxsi %slice3A_299, %slice3A_300 : vector<256x512xi32>
    %slice3A_303 = vector.extract_strided_slice %min3A_298 {offsets = [0, 0], sizes = [256, 512], strides = [1, 1]} : vector<512x512xi32> to vector<256x512xi32>
    %slice3A_304 = vector.extract_strided_slice %min3A_298 {offsets = [256, 0], sizes = [256, 512], strides = [1, 1]} : vector<512x512xi32> to vector<256x512xi32>
    %min3A_305 = arith.minsi %slice3A_303, %slice3A_304 : vector<256x512xi32>
    %min3A_306 = arith.minsi %max3A_302, %min3A_305 : vector<256x512xi32>
    %slice3A_307 = vector.extract_strided_slice %min3A_301 {offsets = [0, 0], sizes = [128, 512], strides = [1, 1]} : vector<256x512xi32> to vector<128x512xi32>
    %slice3A_308 = vector.extract_strided_slice %min3A_301 {offsets = [128, 0], sizes = [128, 512], strides = [1, 1]} : vector<256x512xi32> to vector<128x512xi32>
    %min3A_309 = arith.minsi %slice3A_307, %slice3A_308 : vector<128x512xi32>
    %max3A_310 = arith.maxsi %slice3A_307, %slice3A_308 : vector<128x512xi32>
    %slice3A_311 = vector.extract_strided_slice %min3A_306 {offsets = [0, 0], sizes = [128, 512], strides = [1, 1]} : vector<256x512xi32> to vector<128x512xi32>
    %slice3A_312 = vector.extract_strided_slice %min3A_306 {offsets = [128, 0], sizes = [128, 512], strides = [1, 1]} : vector<256x512xi32> to vector<128x512xi32>
    %min3A_313 = arith.minsi %slice3A_311, %slice3A_312 : vector<128x512xi32>
    %min3A_314 = arith.minsi %max3A_310, %min3A_313 : vector<128x512xi32>
    %slice3A_315 = vector.extract_strided_slice %min3A_309 {offsets = [0, 0], sizes = [64, 512], strides = [1, 1]} : vector<128x512xi32> to vector<64x512xi32>
    %slice3A_316 = vector.extract_strided_slice %min3A_309 {offsets = [64, 0], sizes = [64, 512], strides = [1, 1]} : vector<128x512xi32> to vector<64x512xi32>
    %min3A_317 = arith.minsi %slice3A_315, %slice3A_316 : vector<64x512xi32>
    %max3A_318 = arith.maxsi %slice3A_315, %slice3A_316 : vector<64x512xi32>
    %slice3A_319 = vector.extract_strided_slice %min3A_314 {offsets = [0, 0], sizes = [64, 512], strides = [1, 1]} : vector<128x512xi32> to vector<64x512xi32>
    %slice3A_320 = vector.extract_strided_slice %min3A_314 {offsets = [64, 0], sizes = [64, 512], strides = [1, 1]} : vector<128x512xi32> to vector<64x512xi32>
    %min3A_321 = arith.minsi %slice3A_319, %slice3A_320 : vector<64x512xi32>
    %min3A_322 = arith.minsi %max3A_318, %min3A_321 : vector<64x512xi32>
    %concatenate3A_323 = tpu.concatenate %min3A_317, %min3A_322 in 0 : vector<64x512xi32>, vector<64x512xi32> -> vector<128x512xi32>
    %get3A_324 = arith.constant 10240 : index
    %get3A_325 = arith.constant 0 : index
    %get3A_326 = vector.load %arg2[%get3A_324, %get3A_325] : memref<16384x96xf32, #tpu.memory_space<vmem>>, vector<2048x96xf32>
    %dot_general3A_327 = arith.constant dense<0.000000e+00> : vector<2048x512xf32>
    %dot_general3A_328 = tpu.matmul %get3A_326, %mul3A_5, %dot_general3A_327 {dimension_numbers = #tpu.dot_dimension_numbers<[1], [1], [0], [0], [0, 0, 1, 0], [], []>, transpose_lhs_hint = false} : vector<2048x96xf32>, vector<512x96xf32>, vector<2048x512xf32> -> vector<2048x512xf32>
    %get3A_329 = arith.constant 10240 : index
    %get3A_330 = arith.constant 0 : index
    %get3A_331 = vector.load %arg4[%get3A_329, %get3A_330] : memref<16384x1xf32, #tpu.memory_space<vmem>>, vector<2048x1xf32>
    %add3A_332 = vector.broadcast %get3A_331 : vector<2048x1xf32> to vector<2048x512xf32>
    %add3A_333 = arith.addf %add3A_332, %dot_general3A_328 : vector<2048x512xf32>
    %bitcast_convert_type3A_334 = tpu.bitcast %add3A_333 : vector<2048x512xf32> -> vector<2048x512xi32>
    %shift_right_arithmetic3A_335 = arith.constant 31 : i32
    %shift_right_arithmetic3A_336 = vector.broadcast %shift_right_arithmetic3A_335 : i32 to vector<2048x512xi32>
    %shift_right_arithmetic3A_337 = arith.shrsi %bitcast_convert_type3A_334, %shift_right_arithmetic3A_336 : vector<2048x512xi32>
    %and3A_338 = arith.constant 2147483647 : i32
    %and3A_339 = vector.broadcast %and3A_338 : i32 to vector<2048x512xi32>
    %and3A_340 = arith.andi %shift_right_arithmetic3A_337, %and3A_339 : vector<2048x512xi32>
    %xor3A_341 = arith.xori %bitcast_convert_type3A_334, %and3A_340 : vector<2048x512xi32>
    %and3A_342 = arith.constant -32 : i32
    %and3A_343 = vector.broadcast %and3A_342 : i32 to vector<2048x512xi32>
    %and3A_344 = arith.andi %xor3A_341, %and3A_343 : vector<2048x512xi32>
    %or3A_345 = arith.ori %and3A_344, %select_n3A : vector<2048x512xi32>
    %slice3A_346 = vector.extract_strided_slice %or3A_345 {offsets = [0, 0], sizes = [1024, 512], strides = [1, 1]} : vector<2048x512xi32> to vector<1024x512xi32>
    %slice3A_347 = vector.extract_strided_slice %or3A_345 {offsets = [1024, 0], sizes = [1024, 512], strides = [1, 1]} : vector<2048x512xi32> to vector<1024x512xi32>
    %min3A_348 = arith.minsi %slice3A_346, %slice3A_347 : vector<1024x512xi32>
    %slice3A_349 = vector.extract_strided_slice %or3A_345 {offsets = [0, 0], sizes = [1024, 512], strides = [1, 1]} : vector<2048x512xi32> to vector<1024x512xi32>
    %slice3A_350 = vector.extract_strided_slice %or3A_345 {offsets = [1024, 0], sizes = [1024, 512], strides = [1, 1]} : vector<2048x512xi32> to vector<1024x512xi32>
    %max3A_351 = arith.maxsi %slice3A_349, %slice3A_350 : vector<1024x512xi32>
    %slice3A_352 = vector.extract_strided_slice %min3A_348 {offsets = [0, 0], sizes = [512, 512], strides = [1, 1]} : vector<1024x512xi32> to vector<512x512xi32>
    %slice3A_353 = vector.extract_strided_slice %min3A_348 {offsets = [512, 0], sizes = [512, 512], strides = [1, 1]} : vector<1024x512xi32> to vector<512x512xi32>
    %min3A_354 = arith.minsi %slice3A_352, %slice3A_353 : vector<512x512xi32>
    %max3A_355 = arith.maxsi %slice3A_352, %slice3A_353 : vector<512x512xi32>
    %slice3A_356 = vector.extract_strided_slice %max3A_351 {offsets = [0, 0], sizes = [512, 512], strides = [1, 1]} : vector<1024x512xi32> to vector<512x512xi32>
    %slice3A_357 = vector.extract_strided_slice %max3A_351 {offsets = [512, 0], sizes = [512, 512], strides = [1, 1]} : vector<1024x512xi32> to vector<512x512xi32>
    %min3A_358 = arith.minsi %slice3A_356, %slice3A_357 : vector<512x512xi32>
    %min3A_359 = arith.minsi %max3A_355, %min3A_358 : vector<512x512xi32>
    %slice3A_360 = vector.extract_strided_slice %min3A_354 {offsets = [0, 0], sizes = [256, 512], strides = [1, 1]} : vector<512x512xi32> to vector<256x512xi32>
    %slice3A_361 = vector.extract_strided_slice %min3A_354 {offsets = [256, 0], sizes = [256, 512], strides = [1, 1]} : vector<512x512xi32> to vector<256x512xi32>
    %min3A_362 = arith.minsi %slice3A_360, %slice3A_361 : vector<256x512xi32>
    %max3A_363 = arith.maxsi %slice3A_360, %slice3A_361 : vector<256x512xi32>
    %slice3A_364 = vector.extract_strided_slice %min3A_359 {offsets = [0, 0], sizes = [256, 512], strides = [1, 1]} : vector<512x512xi32> to vector<256x512xi32>
    %slice3A_365 = vector.extract_strided_slice %min3A_359 {offsets = [256, 0], sizes = [256, 512], strides = [1, 1]} : vector<512x512xi32> to vector<256x512xi32>
    %min3A_366 = arith.minsi %slice3A_364, %slice3A_365 : vector<256x512xi32>
    %min3A_367 = arith.minsi %max3A_363, %min3A_366 : vector<256x512xi32>
    %slice3A_368 = vector.extract_strided_slice %min3A_362 {offsets = [0, 0], sizes = [128, 512], strides = [1, 1]} : vector<256x512xi32> to vector<128x512xi32>
    %slice3A_369 = vector.extract_strided_slice %min3A_362 {offsets = [128, 0], sizes = [128, 512], strides = [1, 1]} : vector<256x512xi32> to vector<128x512xi32>
    %min3A_370 = arith.minsi %slice3A_368, %slice3A_369 : vector<128x512xi32>
    %max3A_371 = arith.maxsi %slice3A_368, %slice3A_369 : vector<128x512xi32>
    %slice3A_372 = vector.extract_strided_slice %min3A_367 {offsets = [0, 0], sizes = [128, 512], strides = [1, 1]} : vector<256x512xi32> to vector<128x512xi32>
    %slice3A_373 = vector.extract_strided_slice %min3A_367 {offsets = [128, 0], sizes = [128, 512], strides = [1, 1]} : vector<256x512xi32> to vector<128x512xi32>
    %min3A_374 = arith.minsi %slice3A_372, %slice3A_373 : vector<128x512xi32>
    %min3A_375 = arith.minsi %max3A_371, %min3A_374 : vector<128x512xi32>
    %slice3A_376 = vector.extract_strided_slice %min3A_370 {offsets = [0, 0], sizes = [64, 512], strides = [1, 1]} : vector<128x512xi32> to vector<64x512xi32>
    %slice3A_377 = vector.extract_strided_slice %min3A_370 {offsets = [64, 0], sizes = [64, 512], strides = [1, 1]} : vector<128x512xi32> to vector<64x512xi32>
    %min3A_378 = arith.minsi %slice3A_376, %slice3A_377 : vector<64x512xi32>
    %max3A_379 = arith.maxsi %slice3A_376, %slice3A_377 : vector<64x512xi32>
    %slice3A_380 = vector.extract_strided_slice %min3A_375 {offsets = [0, 0], sizes = [64, 512], strides = [1, 1]} : vector<128x512xi32> to vector<64x512xi32>
    %slice3A_381 = vector.extract_strided_slice %min3A_375 {offsets = [64, 0], sizes = [64, 512], strides = [1, 1]} : vector<128x512xi32> to vector<64x512xi32>
    %min3A_382 = arith.minsi %slice3A_380, %slice3A_381 : vector<64x512xi32>
    %min3A_383 = arith.minsi %max3A_379, %min3A_382 : vector<64x512xi32>
    %concatenate3A_384 = tpu.concatenate %min3A_378, %min3A_383 in 0 : vector<64x512xi32>, vector<64x512xi32> -> vector<128x512xi32>
    %get3A_385 = arith.constant 12288 : index
    %get3A_386 = arith.constant 0 : index
    %get3A_387 = vector.load %arg2[%get3A_385, %get3A_386] : memref<16384x96xf32, #tpu.memory_space<vmem>>, vector<2048x96xf32>
    %dot_general3A_388 = arith.constant dense<0.000000e+00> : vector<2048x512xf32>
    %dot_general3A_389 = tpu.matmul %get3A_387, %mul3A_5, %dot_general3A_388 {dimension_numbers = #tpu.dot_dimension_numbers<[1], [1], [0], [0], [0, 0, 1, 0], [], []>, transpose_lhs_hint = false} : vector<2048x96xf32>, vector<512x96xf32>, vector<2048x512xf32> -> vector<2048x512xf32>
    %get3A_390 = arith.constant 12288 : index
    %get3A_391 = arith.constant 0 : index
    %get3A_392 = vector.load %arg4[%get3A_390, %get3A_391] : memref<16384x1xf32, #tpu.memory_space<vmem>>, vector<2048x1xf32>
    %add3A_393 = vector.broadcast %get3A_392 : vector<2048x1xf32> to vector<2048x512xf32>
    %add3A_394 = arith.addf %add3A_393, %dot_general3A_389 : vector<2048x512xf32>
    %bitcast_convert_type3A_395 = tpu.bitcast %add3A_394 : vector<2048x512xf32> -> vector<2048x512xi32>
    %shift_right_arithmetic3A_396 = arith.constant 31 : i32
    %shift_right_arithmetic3A_397 = vector.broadcast %shift_right_arithmetic3A_396 : i32 to vector<2048x512xi32>
    %shift_right_arithmetic3A_398 = arith.shrsi %bitcast_convert_type3A_395, %shift_right_arithmetic3A_397 : vector<2048x512xi32>
    %and3A_399 = arith.constant 2147483647 : i32
    %and3A_400 = vector.broadcast %and3A_399 : i32 to vector<2048x512xi32>
    %and3A_401 = arith.andi %shift_right_arithmetic3A_398, %and3A_400 : vector<2048x512xi32>
    %xor3A_402 = arith.xori %bitcast_convert_type3A_395, %and3A_401 : vector<2048x512xi32>
    %and3A_403 = arith.constant -32 : i32
    %and3A_404 = vector.broadcast %and3A_403 : i32 to vector<2048x512xi32>
    %and3A_405 = arith.andi %xor3A_402, %and3A_404 : vector<2048x512xi32>
    %or3A_406 = arith.ori %and3A_405, %select_n3A : vector<2048x512xi32>
    %slice3A_407 = vector.extract_strided_slice %or3A_406 {offsets = [0, 0], sizes = [1024, 512], strides = [1, 1]} : vector<2048x512xi32> to vector<1024x512xi32>
    %slice3A_408 = vector.extract_strided_slice %or3A_406 {offsets = [1024, 0], sizes = [1024, 512], strides = [1, 1]} : vector<2048x512xi32> to vector<1024x512xi32>
    %min3A_409 = arith.minsi %slice3A_407, %slice3A_408 : vector<1024x512xi32>
    %slice3A_410 = vector.extract_strided_slice %or3A_406 {offsets = [0, 0], sizes = [1024, 512], strides = [1, 1]} : vector<2048x512xi32> to vector<1024x512xi32>
    %slice3A_411 = vector.extract_strided_slice %or3A_406 {offsets = [1024, 0], sizes = [1024, 512], strides = [1, 1]} : vector<2048x512xi32> to vector<1024x512xi32>
    %max3A_412 = arith.maxsi %slice3A_410, %slice3A_411 : vector<1024x512xi32>
    %slice3A_413 = vector.extract_strided_slice %min3A_409 {offsets = [0, 0], sizes = [512, 512], strides = [1, 1]} : vector<1024x512xi32> to vector<512x512xi32>
    %slice3A_414 = vector.extract_strided_slice %min3A_409 {offsets = [512, 0], sizes = [512, 512], strides = [1, 1]} : vector<1024x512xi32> to vector<512x512xi32>
    %min3A_415 = arith.minsi %slice3A_413, %slice3A_414 : vector<512x512xi32>
    %max3A_416 = arith.maxsi %slice3A_413, %slice3A_414 : vector<512x512xi32>
    %slice3A_417 = vector.extract_strided_slice %max3A_412 {offsets = [0, 0], sizes = [512, 512], strides = [1, 1]} : vector<1024x512xi32> to vector<512x512xi32>
    %slice3A_418 = vector.extract_strided_slice %max3A_412 {offsets = [512, 0], sizes = [512, 512], strides = [1, 1]} : vector<1024x512xi32> to vector<512x512xi32>
    %min3A_419 = arith.minsi %slice3A_417, %slice3A_418 : vector<512x512xi32>
    %min3A_420 = arith.minsi %max3A_416, %min3A_419 : vector<512x512xi32>
    %slice3A_421 = vector.extract_strided_slice %min3A_415 {offsets = [0, 0], sizes = [256, 512], strides = [1, 1]} : vector<512x512xi32> to vector<256x512xi32>
    %slice3A_422 = vector.extract_strided_slice %min3A_415 {offsets = [256, 0], sizes = [256, 512], strides = [1, 1]} : vector<512x512xi32> to vector<256x512xi32>
    %min3A_423 = arith.minsi %slice3A_421, %slice3A_422 : vector<256x512xi32>
    %max3A_424 = arith.maxsi %slice3A_421, %slice3A_422 : vector<256x512xi32>
    %slice3A_425 = vector.extract_strided_slice %min3A_420 {offsets = [0, 0], sizes = [256, 512], strides = [1, 1]} : vector<512x512xi32> to vector<256x512xi32>
    %slice3A_426 = vector.extract_strided_slice %min3A_420 {offsets = [256, 0], sizes = [256, 512], strides = [1, 1]} : vector<512x512xi32> to vector<256x512xi32>
    %min3A_427 = arith.minsi %slice3A_425, %slice3A_426 : vector<256x512xi32>
    %min3A_428 = arith.minsi %max3A_424, %min3A_427 : vector<256x512xi32>
    %slice3A_429 = vector.extract_strided_slice %min3A_423 {offsets = [0, 0], sizes = [128, 512], strides = [1, 1]} : vector<256x512xi32> to vector<128x512xi32>
    %slice3A_430 = vector.extract_strided_slice %min3A_423 {offsets = [128, 0], sizes = [128, 512], strides = [1, 1]} : vector<256x512xi32> to vector<128x512xi32>
    %min3A_431 = arith.minsi %slice3A_429, %slice3A_430 : vector<128x512xi32>
    %max3A_432 = arith.maxsi %slice3A_429, %slice3A_430 : vector<128x512xi32>
    %slice3A_433 = vector.extract_strided_slice %min3A_428 {offsets = [0, 0], sizes = [128, 512], strides = [1, 1]} : vector<256x512xi32> to vector<128x512xi32>
    %slice3A_434 = vector.extract_strided_slice %min3A_428 {offsets = [128, 0], sizes = [128, 512], strides = [1, 1]} : vector<256x512xi32> to vector<128x512xi32>
    %min3A_435 = arith.minsi %slice3A_433, %slice3A_434 : vector<128x512xi32>
    %min3A_436 = arith.minsi %max3A_432, %min3A_435 : vector<128x512xi32>
    %slice3A_437 = vector.extract_strided_slice %min3A_431 {offsets = [0, 0], sizes = [64, 512], strides = [1, 1]} : vector<128x512xi32> to vector<64x512xi32>
    %slice3A_438 = vector.extract_strided_slice %min3A_431 {offsets = [64, 0], sizes = [64, 512], strides = [1, 1]} : vector<128x512xi32> to vector<64x512xi32>
    %min3A_439 = arith.minsi %slice3A_437, %slice3A_438 : vector<64x512xi32>
    %max3A_440 = arith.maxsi %slice3A_437, %slice3A_438 : vector<64x512xi32>
    %slice3A_441 = vector.extract_strided_slice %min3A_436 {offsets = [0, 0], sizes = [64, 512], strides = [1, 1]} : vector<128x512xi32> to vector<64x512xi32>
    %slice3A_442 = vector.extract_strided_slice %min3A_436 {offsets = [64, 0], sizes = [64, 512], strides = [1, 1]} : vector<128x512xi32> to vector<64x512xi32>
    %min3A_443 = arith.minsi %slice3A_441, %slice3A_442 : vector<64x512xi32>
    %min3A_444 = arith.minsi %max3A_440, %min3A_443 : vector<64x512xi32>
    %concatenate3A_445 = tpu.concatenate %min3A_439, %min3A_444 in 0 : vector<64x512xi32>, vector<64x512xi32> -> vector<128x512xi32>
    %get3A_446 = arith.constant 14336 : index
    %get3A_447 = arith.constant 0 : index
    %get3A_448 = vector.load %arg2[%get3A_446, %get3A_447] : memref<16384x96xf32, #tpu.memory_space<vmem>>, vector<2048x96xf32>
    %dot_general3A_449 = arith.constant dense<0.000000e+00> : vector<2048x512xf32>
    %dot_general3A_450 = tpu.matmul %get3A_448, %mul3A_5, %dot_general3A_449 {dimension_numbers = #tpu.dot_dimension_numbers<[1], [1], [0], [0], [0, 0, 1, 0], [], []>, transpose_lhs_hint = false} : vector<2048x96xf32>, vector<512x96xf32>, vector<2048x512xf32> -> vector<2048x512xf32>
    %get3A_451 = arith.constant 14336 : index
    %get3A_452 = arith.constant 0 : index
    %get3A_453 = vector.load %arg4[%get3A_451, %get3A_452] : memref<16384x1xf32, #tpu.memory_space<vmem>>, vector<2048x1xf32>
    %add3A_454 = vector.broadcast %get3A_453 : vector<2048x1xf32> to vector<2048x512xf32>
    %add3A_455 = arith.addf %add3A_454, %dot_general3A_450 : vector<2048x512xf32>
    %bitcast_convert_type3A_456 = tpu.bitcast %add3A_455 : vector<2048x512xf32> -> vector<2048x512xi32>
    %shift_right_arithmetic3A_457 = arith.constant 31 : i32
    %shift_right_arithmetic3A_458 = vector.broadcast %shift_right_arithmetic3A_457 : i32 to vector<2048x512xi32>
    %shift_right_arithmetic3A_459 = arith.shrsi %bitcast_convert_type3A_456, %shift_right_arithmetic3A_458 : vector<2048x512xi32>
    %and3A_460 = arith.constant 2147483647 : i32
    %and3A_461 = vector.broadcast %and3A_460 : i32 to vector<2048x512xi32>
    %and3A_462 = arith.andi %shift_right_arithmetic3A_459, %and3A_461 : vector<2048x512xi32>
    %xor3A_463 = arith.xori %bitcast_convert_type3A_456, %and3A_462 : vector<2048x512xi32>
    %and3A_464 = arith.constant -32 : i32
    %and3A_465 = vector.broadcast %and3A_464 : i32 to vector<2048x512xi32>
    %and3A_466 = arith.andi %xor3A_463, %and3A_465 : vector<2048x512xi32>
    %or3A_467 = arith.ori %and3A_466, %select_n3A : vector<2048x512xi32>
    %slice3A_468 = vector.extract_strided_slice %or3A_467 {offsets = [0, 0], sizes = [1024, 512], strides = [1, 1]} : vector<2048x512xi32> to vector<1024x512xi32>
    %slice3A_469 = vector.extract_strided_slice %or3A_467 {offsets = [1024, 0], sizes = [1024, 512], strides = [1, 1]} : vector<2048x512xi32> to vector<1024x512xi32>
    %min3A_470 = arith.minsi %slice3A_468, %slice3A_469 : vector<1024x512xi32>
    %slice3A_471 = vector.extract_strided_slice %or3A_467 {offsets = [0, 0], sizes = [1024, 512], strides = [1, 1]} : vector<2048x512xi32> to vector<1024x512xi32>
    %slice3A_472 = vector.extract_strided_slice %or3A_467 {offsets = [1024, 0], sizes = [1024, 512], strides = [1, 1]} : vector<2048x512xi32> to vector<1024x512xi32>
    %max3A_473 = arith.maxsi %slice3A_471, %slice3A_472 : vector<1024x512xi32>
    %slice3A_474 = vector.extract_strided_slice %min3A_470 {offsets = [0, 0], sizes = [512, 512], strides = [1, 1]} : vector<1024x512xi32> to vector<512x512xi32>
    %slice3A_475 = vector.extract_strided_slice %min3A_470 {offsets = [512, 0], sizes = [512, 512], strides = [1, 1]} : vector<1024x512xi32> to vector<512x512xi32>
    %min3A_476 = arith.minsi %slice3A_474, %slice3A_475 : vector<512x512xi32>
    %max3A_477 = arith.maxsi %slice3A_474, %slice3A_475 : vector<512x512xi32>
    %slice3A_478 = vector.extract_strided_slice %max3A_473 {offsets = [0, 0], sizes = [512, 512], strides = [1, 1]} : vector<1024x512xi32> to vector<512x512xi32>
    %slice3A_479 = vector.extract_strided_slice %max3A_473 {offsets = [512, 0], sizes = [512, 512], strides = [1, 1]} : vector<1024x512xi32> to vector<512x512xi32>
    %min3A_480 = arith.minsi %slice3A_478, %slice3A_479 : vector<512x512xi32>
    %min3A_481 = arith.minsi %max3A_477, %min3A_480 : vector<512x512xi32>
    %slice3A_482 = vector.extract_strided_slice %min3A_476 {offsets = [0, 0], sizes = [256, 512], strides = [1, 1]} : vector<512x512xi32> to vector<256x512xi32>
    %slice3A_483 = vector.extract_strided_slice %min3A_476 {offsets = [256, 0], sizes = [256, 512], strides = [1, 1]} : vector<512x512xi32> to vector<256x512xi32>
    %min3A_484 = arith.minsi %slice3A_482, %slice3A_483 : vector<256x512xi32>
    %max3A_485 = arith.maxsi %slice3A_482, %slice3A_483 : vector<256x512xi32>
    %slice3A_486 = vector.extract_strided_slice %min3A_481 {offsets = [0, 0], sizes = [256, 512], strides = [1, 1]} : vector<512x512xi32> to vector<256x512xi32>
    %slice3A_487 = vector.extract_strided_slice %min3A_481 {offsets = [256, 0], sizes = [256, 512], strides = [1, 1]} : vector<512x512xi32> to vector<256x512xi32>
    %min3A_488 = arith.minsi %slice3A_486, %slice3A_487 : vector<256x512xi32>
    %min3A_489 = arith.minsi %max3A_485, %min3A_488 : vector<256x512xi32>
    %slice3A_490 = vector.extract_strided_slice %min3A_484 {offsets = [0, 0], sizes = [128, 512], strides = [1, 1]} : vector<256x512xi32> to vector<128x512xi32>
    %slice3A_491 = vector.extract_strided_slice %min3A_484 {offsets = [128, 0], sizes = [128, 512], strides = [1, 1]} : vector<256x512xi32> to vector<128x512xi32>
    %min3A_492 = arith.minsi %slice3A_490, %slice3A_491 : vector<128x512xi32>
    %max3A_493 = arith.maxsi %slice3A_490, %slice3A_491 : vector<128x512xi32>
    %slice3A_494 = vector.extract_strided_slice %min3A_489 {offsets = [0, 0], sizes = [128, 512], strides = [1, 1]} : vector<256x512xi32> to vector<128x512xi32>
    %slice3A_495 = vector.extract_strided_slice %min3A_489 {offsets = [128, 0], sizes = [128, 512], strides = [1, 1]} : vector<256x512xi32> to vector<128x512xi32>
    %min3A_496 = arith.minsi %slice3A_494, %slice3A_495 : vector<128x512xi32>
    %min3A_497 = arith.minsi %max3A_493, %min3A_496 : vector<128x512xi32>
    %slice3A_498 = vector.extract_strided_slice %min3A_492 {offsets = [0, 0], sizes = [64, 512], strides = [1, 1]} : vector<128x512xi32> to vector<64x512xi32>
    %slice3A_499 = vector.extract_strided_slice %min3A_492 {offsets = [64, 0], sizes = [64, 512], strides = [1, 1]} : vector<128x512xi32> to vector<64x512xi32>
    %min3A_500 = arith.minsi %slice3A_498, %slice3A_499 : vector<64x512xi32>
    %max3A_501 = arith.maxsi %slice3A_498, %slice3A_499 : vector<64x512xi32>
    %slice3A_502 = vector.extract_strided_slice %min3A_497 {offsets = [0, 0], sizes = [64, 512], strides = [1, 1]} : vector<128x512xi32> to vector<64x512xi32>
    %slice3A_503 = vector.extract_strided_slice %min3A_497 {offsets = [64, 0], sizes = [64, 512], strides = [1, 1]} : vector<128x512xi32> to vector<64x512xi32>
    %min3A_504 = arith.minsi %slice3A_502, %slice3A_503 : vector<64x512xi32>
    %min3A_505 = arith.minsi %max3A_501, %min3A_504 : vector<64x512xi32>
    %concatenate3A_506 = tpu.concatenate %min3A_500, %min3A_505 in 0 : vector<64x512xi32>, vector<64x512xi32> -> vector<128x512xi32>
    %concatenate3A_507 = tpu.concatenate %concatenate3A, %concatenate3A_140, %concatenate3A_201, %concatenate3A_262, %concatenate3A_323, %concatenate3A_384, %concatenate3A_445, %concatenate3A_506 in 0 : vector<128x512xi32>, vector<128x512xi32>, vector<128x512xi32>, vector<128x512xi32>, vector<128x512xi32>, vector<128x512xi32>, vector<128x512xi32>, vector<128x512xi32> -> vector<1024x512xi32>
    %iota3A_508 = tpu.iota {dimensions = array<i32: 0>} : vector<1024x512xi32>
    %reduce_min3A = arith.constant dense<2147483647> : vector<512xi32>
    %reduce_min3A_509 = vector.multi_reduction <minsi>, %concatenate3A_507, %reduce_min3A [0] : vector<1024x512xi32> to vector<512xi32>
    %broadcast_in_dim3A = vector.shape_cast %reduce_min3A_509 : vector<512xi32> to vector<1x512xi32>
    %eq3A_510 = vector.broadcast %broadcast_in_dim3A : vector<1x512xi32> to vector<1024x512xi32>
    %eq3A_511 = arith.cmpi eq, %concatenate3A_507, %eq3A_510 : vector<1024x512xi32>
    %jit3A_512 = arith.constant 1073741824 : i32
    %broadcast_in_dim3A_513 = vector.broadcast %jit3A_512 : i32 to vector<1024x512xi32>
    %select_n3A_514 = arith.select %eq3A_511, %iota3A_508, %broadcast_in_dim3A_513 : vector<1024x512xi1>, vector<1024x512xi32>
    %reduce_min3A_515 = arith.constant dense<2147483647> : vector<512xi32>
    %reduce_min3A_516 = vector.multi_reduction <minsi>, %select_n3A_514, %reduce_min3A_515 [0] : vector<1024x512xi32> to vector<512xi32>
    %broadcast_in_dim3A_517 = vector.shape_cast %reduce_min3A_516 : vector<512xi32> to vector<1x512xi32>
    %jit3A_518 = arith.constant 128 : i32
    %div3A_519 = vector.broadcast %jit3A_518 : i32 to vector<1x512xi32>
    %div3A_520 = arith.divsi %broadcast_in_dim3A_517, %div3A_519 : vector<1x512xi32>
    %sign3A_521 = arith.constant 0 : i32
    %sign3A_522 = vector.broadcast %sign3A_521 : i32 to vector<1x512xi32>
    %sign3A_523 = arith.cmpi sgt, %broadcast_in_dim3A_517, %sign3A_522 : vector<1x512xi32>
    %sign3A_524 = arith.extui %sign3A_523 : vector<1x512xi1> to vector<1x512xi32>
    %sign3A_525 = arith.constant 0 : i32
    %sign3A_526 = vector.broadcast %sign3A_525 : i32 to vector<1x512xi32>
    %sign3A_527 = arith.cmpi slt, %broadcast_in_dim3A_517, %sign3A_526 : vector<1x512xi32>
    %sign3A_528 = arith.extui %sign3A_527 : vector<1x512xi1> to vector<1x512xi32>
    %sign3A_529 = arith.subi %sign3A_524, %sign3A_528 : vector<1x512xi32>
    %sign3A_530 = arith.constant 0 : i32
    %sign3A_531 = arith.cmpi sgt, %jit3A_518, %sign3A_530 : i32
    %sign3A_532 = arith.extui %sign3A_531 : i1 to i32
    %sign3A_533 = arith.constant 0 : i32
    %sign3A_534 = arith.cmpi slt, %jit3A_518, %sign3A_533 : i32
    %sign3A_535 = arith.extui %sign3A_534 : i1 to i32
    %sign3A_536 = arith.subi %sign3A_532, %sign3A_535 : i32
    %ne3A_537 = vector.broadcast %sign3A_536 : i32 to vector<1x512xi32>
    %ne3A_538 = arith.cmpi ne, %sign3A_529, %ne3A_537 : vector<1x512xi32>
    %rem3A_539 = vector.broadcast %jit3A_518 : i32 to vector<1x512xi32>
    %rem3A_540 = arith.remsi %broadcast_in_dim3A_517, %rem3A_539 : vector<1x512xi32>
    %ne3A_541 = arith.constant 0 : i32
    %ne3A_542 = vector.broadcast %ne3A_541 : i32 to vector<1x512xi32>
    %ne3A_543 = arith.cmpi ne, %rem3A_540, %ne3A_542 : vector<1x512xi32>
    %and3A_544 = arith.andi %ne3A_538, %ne3A_543 : vector<1x512xi1>
    %sub3A_545 = arith.constant 1 : i32
    %sub3A_546 = vector.broadcast %sub3A_545 : i32 to vector<1x512xi32>
    %sub3A_547 = arith.subi %div3A_520, %sub3A_546 : vector<1x512xi32>
    %select_n3A_548 = arith.select %and3A_544, %sub3A_547, %div3A_520 : vector<1x512xi1>, vector<1x512xi32>
    %mul3A_549 = arith.constant 2048 : i32
    %mul3A_550 = vector.broadcast %mul3A_549 : i32 to vector<1x512xi32>
    %mul3A_551 = arith.muli %select_n3A_548, %mul3A_550 : vector<1x512xi32>
    %jit3A_552 = arith.constant 64 : i32
    %eq3A_553 = arith.constant 0 : i32
    %eq3A_554 = arith.cmpi eq, %jit3A_552, %eq3A_553 : i32
    %jit3A_555 = arith.constant 1 : i32
    %select_n3A_556 = arith.select %eq3A_554, %jit3A_555, %jit3A_552 : i32
    %rem3A_557 = vector.broadcast %select_n3A_556 : i32 to vector<1x512xi32>
    %rem3A_558 = arith.remsi %broadcast_in_dim3A_517, %rem3A_557 : vector<1x512xi32>
    %ne3A_559 = arith.constant 0 : i32
    %ne3A_560 = vector.broadcast %ne3A_559 : i32 to vector<1x512xi32>
    %ne3A_561 = arith.cmpi ne, %rem3A_558, %ne3A_560 : vector<1x512xi32>
    %lt3A = arith.constant 0 : i32
    %lt3A_562 = vector.broadcast %lt3A : i32 to vector<1x512xi32>
    %lt3A_563 = arith.cmpi slt, %rem3A_558, %lt3A_562 : vector<1x512xi32>
    %lt3A_564 = arith.constant 0 : i32
    %lt3A_565 = arith.cmpi slt, %select_n3A_556, %lt3A_564 : i32
    %ne3A_566 = vector.broadcast %lt3A_565 : i1 to vector<1x512xi1>
    %ne3A_567 = vector.broadcast %ne3A_566 : vector<1x512xi1> to vector<1x512xi1>
    %ne3A_568 = arith.xori %lt3A_563, %ne3A_567 : vector<1x512xi1>
    %and3A_569 = arith.andi %ne3A_568, %ne3A_561 : vector<1x512xi1>
    %add3A_570 = vector.broadcast %select_n3A_556 : i32 to vector<1x512xi32>
    %add3A_571 = arith.addi %rem3A_558, %add3A_570 : vector<1x512xi32>
    %select_n3A_572 = arith.select %and3A_569, %add3A_571, %rem3A_558 : vector<1x512xi1>, vector<1x512xi32>
    %add3A_573 = arith.addi %mul3A_551, %select_n3A_572 : vector<1x512xi32>
    %and3A_574 = arith.constant 31 : i32
    %and3A_575 = vector.broadcast %and3A_574 : i32 to vector<1x512xi32>
    %and3A_576 = arith.andi %broadcast_in_dim3A, %and3A_575 : vector<1x512xi32>
    %mul3A_577 = arith.constant 64 : i32
    %mul3A_578 = vector.broadcast %mul3A_577 : i32 to vector<1x512xi32>
    %mul3A_579 = arith.muli %mul3A_578, %and3A_576 : vector<1x512xi32>
    %add3A_580 = arith.addi %add3A_573, %mul3A_579 : vector<1x512xi32>
    %eq3A_581 = vector.broadcast %broadcast_in_dim3A_517 : vector<1x512xi32> to vector<1024x512xi32>
    %eq3A_582 = arith.cmpi eq, %iota3A_508, %eq3A_581 : vector<1024x512xi32>
    %jit3A_583 = arith.constant 2147483647 : i32
    %broadcast_in_dim3A_584 = vector.broadcast %jit3A_583 : i32 to vector<1024x512xi32>
    %select_n3A_585 = arith.select %eq3A_582, %broadcast_in_dim3A_584, %concatenate3A_507 : vector<1024x512xi1>, vector<1024x512xi32>
    %reduce_min3A_586 = arith.constant dense<2147483647> : vector<512xi32>
    %reduce_min3A_587 = vector.multi_reduction <minsi>, %select_n3A_585, %reduce_min3A_586 [0] : vector<1024x512xi32> to vector<512xi32>
    %broadcast_in_dim3A_588 = vector.shape_cast %reduce_min3A_587 : vector<512xi32> to vector<1x512xi32>
    %eq3A_589 = vector.broadcast %broadcast_in_dim3A_588 : vector<1x512xi32> to vector<1024x512xi32>
    %eq3A_590 = arith.cmpi eq, %select_n3A_585, %eq3A_589 : vector<1024x512xi32>
    %jit3A_591 = arith.constant 1073741824 : i32
    %broadcast_in_dim3A_592 = vector.broadcast %jit3A_591 : i32 to vector<1024x512xi32>
    %select_n3A_593 = arith.select %eq3A_590, %iota3A_508, %broadcast_in_dim3A_592 : vector<1024x512xi1>, vector<1024x512xi32>
    %reduce_min3A_594 = arith.constant dense<2147483647> : vector<512xi32>
    %reduce_min3A_595 = vector.multi_reduction <minsi>, %select_n3A_593, %reduce_min3A_594 [0] : vector<1024x512xi32> to vector<512xi32>
    %broadcast_in_dim3A_596 = vector.shape_cast %reduce_min3A_595 : vector<512xi32> to vector<1x512xi32>
    %jit3A_597 = arith.constant 128 : i32
    %div3A_598 = vector.broadcast %jit3A_597 : i32 to vector<1x512xi32>
    %div3A_599 = arith.divsi %broadcast_in_dim3A_596, %div3A_598 : vector<1x512xi32>
    %sign3A_600 = arith.constant 0 : i32
    %sign3A_601 = vector.broadcast %sign3A_600 : i32 to vector<1x512xi32>
    %sign3A_602 = arith.cmpi sgt, %broadcast_in_dim3A_596, %sign3A_601 : vector<1x512xi32>
    %sign3A_603 = arith.extui %sign3A_602 : vector<1x512xi1> to vector<1x512xi32>
    %sign3A_604 = arith.constant 0 : i32
    %sign3A_605 = vector.broadcast %sign3A_604 : i32 to vector<1x512xi32>
    %sign3A_606 = arith.cmpi slt, %broadcast_in_dim3A_596, %sign3A_605 : vector<1x512xi32>
    %sign3A_607 = arith.extui %sign3A_606 : vector<1x512xi1> to vector<1x512xi32>
    %sign3A_608 = arith.subi %sign3A_603, %sign3A_607 : vector<1x512xi32>
    %sign3A_609 = arith.constant 0 : i32
    %sign3A_610 = arith.cmpi sgt, %jit3A_597, %sign3A_609 : i32
    %sign3A_611 = arith.extui %sign3A_610 : i1 to i32
    %sign3A_612 = arith.constant 0 : i32
    %sign3A_613 = arith.cmpi slt, %jit3A_597, %sign3A_612 : i32
    %sign3A_614 = arith.extui %sign3A_613 : i1 to i32
    %sign3A_615 = arith.subi %sign3A_611, %sign3A_614 : i32
    %ne3A_616 = vector.broadcast %sign3A_615 : i32 to vector<1x512xi32>
    %ne3A_617 = arith.cmpi ne, %sign3A_608, %ne3A_616 : vector<1x512xi32>
    %rem3A_618 = vector.broadcast %jit3A_597 : i32 to vector<1x512xi32>
    %rem3A_619 = arith.remsi %broadcast_in_dim3A_596, %rem3A_618 : vector<1x512xi32>
    %ne3A_620 = arith.constant 0 : i32
    %ne3A_621 = vector.broadcast %ne3A_620 : i32 to vector<1x512xi32>
    %ne3A_622 = arith.cmpi ne, %rem3A_619, %ne3A_621 : vector<1x512xi32>
    %and3A_623 = arith.andi %ne3A_617, %ne3A_622 : vector<1x512xi1>
    %sub3A_624 = arith.constant 1 : i32
    %sub3A_625 = vector.broadcast %sub3A_624 : i32 to vector<1x512xi32>
    %sub3A_626 = arith.subi %div3A_599, %sub3A_625 : vector<1x512xi32>
    %select_n3A_627 = arith.select %and3A_623, %sub3A_626, %div3A_599 : vector<1x512xi1>, vector<1x512xi32>
    %mul3A_628 = arith.constant 2048 : i32
    %mul3A_629 = vector.broadcast %mul3A_628 : i32 to vector<1x512xi32>
    %mul3A_630 = arith.muli %select_n3A_627, %mul3A_629 : vector<1x512xi32>
    %jit3A_631 = arith.constant 64 : i32
    %eq3A_632 = arith.constant 0 : i32
    %eq3A_633 = arith.cmpi eq, %jit3A_631, %eq3A_632 : i32
    %jit3A_634 = arith.constant 1 : i32
    %select_n3A_635 = arith.select %eq3A_633, %jit3A_634, %jit3A_631 : i32
    %rem3A_636 = vector.broadcast %select_n3A_635 : i32 to vector<1x512xi32>
    %rem3A_637 = arith.remsi %broadcast_in_dim3A_596, %rem3A_636 : vector<1x512xi32>
    %ne3A_638 = arith.constant 0 : i32
    %ne3A_639 = vector.broadcast %ne3A_638 : i32 to vector<1x512xi32>
    %ne3A_640 = arith.cmpi ne, %rem3A_637, %ne3A_639 : vector<1x512xi32>
    %lt3A_641 = arith.constant 0 : i32
    %lt3A_642 = vector.broadcast %lt3A_641 : i32 to vector<1x512xi32>
    %lt3A_643 = arith.cmpi slt, %rem3A_637, %lt3A_642 : vector<1x512xi32>
    %lt3A_644 = arith.constant 0 : i32
    %lt3A_645 = arith.cmpi slt, %select_n3A_635, %lt3A_644 : i32
    %ne3A_646 = vector.broadcast %lt3A_645 : i1 to vector<1x512xi1>
    %ne3A_647 = vector.broadcast %ne3A_646 : vector<1x512xi1> to vector<1x512xi1>
    %ne3A_648 = arith.xori %lt3A_643, %ne3A_647 : vector<1x512xi1>
    %and3A_649 = arith.andi %ne3A_648, %ne3A_640 : vector<1x512xi1>
    %add3A_650 = vector.broadcast %select_n3A_635 : i32 to vector<1x512xi32>
    %add3A_651 = arith.addi %rem3A_637, %add3A_650 : vector<1x512xi32>
    %select_n3A_652 = arith.select %and3A_649, %add3A_651, %rem3A_637 : vector<1x512xi1>, vector<1x512xi32>
    %add3A_653 = arith.addi %mul3A_630, %select_n3A_652 : vector<1x512xi32>
    %and3A_654 = arith.constant 31 : i32
    %and3A_655 = vector.broadcast %and3A_654 : i32 to vector<1x512xi32>
    %and3A_656 = arith.andi %broadcast_in_dim3A_588, %and3A_655 : vector<1x512xi32>
    %mul3A_657 = arith.constant 64 : i32
    %mul3A_658 = vector.broadcast %mul3A_657 : i32 to vector<1x512xi32>
    %mul3A_659 = arith.muli %mul3A_658, %and3A_656 : vector<1x512xi32>
    %add3A_660 = arith.addi %add3A_653, %mul3A_659 : vector<1x512xi32>
    %eq3A_661 = vector.broadcast %broadcast_in_dim3A_596 : vector<1x512xi32> to vector<1024x512xi32>
    %eq3A_662 = arith.cmpi eq, %iota3A_508, %eq3A_661 : vector<1024x512xi32>
    %jit3A_663 = arith.constant 2147483647 : i32
    %broadcast_in_dim3A_664 = vector.broadcast %jit3A_663 : i32 to vector<1024x512xi32>
    %select_n3A_665 = arith.select %eq3A_662, %broadcast_in_dim3A_664, %select_n3A_585 : vector<1024x512xi1>, vector<1024x512xi32>
    %reduce_min3A_666 = arith.constant dense<2147483647> : vector<512xi32>
    %reduce_min3A_667 = vector.multi_reduction <minsi>, %select_n3A_665, %reduce_min3A_666 [0] : vector<1024x512xi32> to vector<512xi32>
    %broadcast_in_dim3A_668 = vector.shape_cast %reduce_min3A_667 : vector<512xi32> to vector<1x512xi32>
    %eq3A_669 = vector.broadcast %broadcast_in_dim3A_668 : vector<1x512xi32> to vector<1024x512xi32>
    %eq3A_670 = arith.cmpi eq, %select_n3A_665, %eq3A_669 : vector<1024x512xi32>
    %jit3A_671 = arith.constant 1073741824 : i32
    %broadcast_in_dim3A_672 = vector.broadcast %jit3A_671 : i32 to vector<1024x512xi32>
    %select_n3A_673 = arith.select %eq3A_670, %iota3A_508, %broadcast_in_dim3A_672 : vector<1024x512xi1>, vector<1024x512xi32>
    %reduce_min3A_674 = arith.constant dense<2147483647> : vector<512xi32>
    %reduce_min3A_675 = vector.multi_reduction <minsi>, %select_n3A_673, %reduce_min3A_674 [0] : vector<1024x512xi32> to vector<512xi32>
    %broadcast_in_dim3A_676 = vector.shape_cast %reduce_min3A_675 : vector<512xi32> to vector<1x512xi32>
    %jit3A_677 = arith.constant 128 : i32
    %div3A_678 = vector.broadcast %jit3A_677 : i32 to vector<1x512xi32>
    %div3A_679 = arith.divsi %broadcast_in_dim3A_676, %div3A_678 : vector<1x512xi32>
    %sign3A_680 = arith.constant 0 : i32
    %sign3A_681 = vector.broadcast %sign3A_680 : i32 to vector<1x512xi32>
    %sign3A_682 = arith.cmpi sgt, %broadcast_in_dim3A_676, %sign3A_681 : vector<1x512xi32>
    %sign3A_683 = arith.extui %sign3A_682 : vector<1x512xi1> to vector<1x512xi32>
    %sign3A_684 = arith.constant 0 : i32
    %sign3A_685 = vector.broadcast %sign3A_684 : i32 to vector<1x512xi32>
    %sign3A_686 = arith.cmpi slt, %broadcast_in_dim3A_676, %sign3A_685 : vector<1x512xi32>
    %sign3A_687 = arith.extui %sign3A_686 : vector<1x512xi1> to vector<1x512xi32>
    %sign3A_688 = arith.subi %sign3A_683, %sign3A_687 : vector<1x512xi32>
    %sign3A_689 = arith.constant 0 : i32
    %sign3A_690 = arith.cmpi sgt, %jit3A_677, %sign3A_689 : i32
    %sign3A_691 = arith.extui %sign3A_690 : i1 to i32
    %sign3A_692 = arith.constant 0 : i32
    %sign3A_693 = arith.cmpi slt, %jit3A_677, %sign3A_692 : i32
    %sign3A_694 = arith.extui %sign3A_693 : i1 to i32
    %sign3A_695 = arith.subi %sign3A_691, %sign3A_694 : i32
    %ne3A_696 = vector.broadcast %sign3A_695 : i32 to vector<1x512xi32>
    %ne3A_697 = arith.cmpi ne, %sign3A_688, %ne3A_696 : vector<1x512xi32>
    %rem3A_698 = vector.broadcast %jit3A_677 : i32 to vector<1x512xi32>
    %rem3A_699 = arith.remsi %broadcast_in_dim3A_676, %rem3A_698 : vector<1x512xi32>
    %ne3A_700 = arith.constant 0 : i32
    %ne3A_701 = vector.broadcast %ne3A_700 : i32 to vector<1x512xi32>
    %ne3A_702 = arith.cmpi ne, %rem3A_699, %ne3A_701 : vector<1x512xi32>
    %and3A_703 = arith.andi %ne3A_697, %ne3A_702 : vector<1x512xi1>
    %sub3A_704 = arith.constant 1 : i32
    %sub3A_705 = vector.broadcast %sub3A_704 : i32 to vector<1x512xi32>
    %sub3A_706 = arith.subi %div3A_679, %sub3A_705 : vector<1x512xi32>
    %select_n3A_707 = arith.select %and3A_703, %sub3A_706, %div3A_679 : vector<1x512xi1>, vector<1x512xi32>
    %mul3A_708 = arith.constant 2048 : i32
    %mul3A_709 = vector.broadcast %mul3A_708 : i32 to vector<1x512xi32>
    %mul3A_710 = arith.muli %select_n3A_707, %mul3A_709 : vector<1x512xi32>
    %jit3A_711 = arith.constant 64 : i32
    %eq3A_712 = arith.constant 0 : i32
    %eq3A_713 = arith.cmpi eq, %jit3A_711, %eq3A_712 : i32
    %jit3A_714 = arith.constant 1 : i32
    %select_n3A_715 = arith.select %eq3A_713, %jit3A_714, %jit3A_711 : i32
    %rem3A_716 = vector.broadcast %select_n3A_715 : i32 to vector<1x512xi32>
    %rem3A_717 = arith.remsi %broadcast_in_dim3A_676, %rem3A_716 : vector<1x512xi32>
    %ne3A_718 = arith.constant 0 : i32
    %ne3A_719 = vector.broadcast %ne3A_718 : i32 to vector<1x512xi32>
    %ne3A_720 = arith.cmpi ne, %rem3A_717, %ne3A_719 : vector<1x512xi32>
    %lt3A_721 = arith.constant 0 : i32
    %lt3A_722 = vector.broadcast %lt3A_721 : i32 to vector<1x512xi32>
    %lt3A_723 = arith.cmpi slt, %rem3A_717, %lt3A_722 : vector<1x512xi32>
    %lt3A_724 = arith.constant 0 : i32
    %lt3A_725 = arith.cmpi slt, %select_n3A_715, %lt3A_724 : i32
    %ne3A_726 = vector.broadcast %lt3A_725 : i1 to vector<1x512xi1>
    %ne3A_727 = vector.broadcast %ne3A_726 : vector<1x512xi1> to vector<1x512xi1>
    %ne3A_728 = arith.xori %lt3A_723, %ne3A_727 : vector<1x512xi1>
    %and3A_729 = arith.andi %ne3A_728, %ne3A_720 : vector<1x512xi1>
    %add3A_730 = vector.broadcast %select_n3A_715 : i32 to vector<1x512xi32>
    %add3A_731 = arith.addi %rem3A_717, %add3A_730 : vector<1x512xi32>
    %select_n3A_732 = arith.select %and3A_729, %add3A_731, %rem3A_717 : vector<1x512xi1>, vector<1x512xi32>
    %add3A_733 = arith.addi %mul3A_710, %select_n3A_732 : vector<1x512xi32>
    %and3A_734 = arith.constant 31 : i32
    %and3A_735 = vector.broadcast %and3A_734 : i32 to vector<1x512xi32>
    %and3A_736 = arith.andi %broadcast_in_dim3A_668, %and3A_735 : vector<1x512xi32>
    %mul3A_737 = arith.constant 64 : i32
    %mul3A_738 = vector.broadcast %mul3A_737 : i32 to vector<1x512xi32>
    %mul3A_739 = arith.muli %mul3A_738, %and3A_736 : vector<1x512xi32>
    %add3A_740 = arith.addi %add3A_733, %mul3A_739 : vector<1x512xi32>
    %eq3A_741 = vector.broadcast %broadcast_in_dim3A_676 : vector<1x512xi32> to vector<1024x512xi32>
    %eq3A_742 = arith.cmpi eq, %iota3A_508, %eq3A_741 : vector<1024x512xi32>
    %jit3A_743 = arith.constant 2147483647 : i32
    %broadcast_in_dim3A_744 = vector.broadcast %jit3A_743 : i32 to vector<1024x512xi32>
    %select_n3A_745 = arith.select %eq3A_742, %broadcast_in_dim3A_744, %select_n3A_665 : vector<1024x512xi1>, vector<1024x512xi32>
    %reduce_min3A_746 = arith.constant dense<2147483647> : vector<512xi32>
    %reduce_min3A_747 = vector.multi_reduction <minsi>, %select_n3A_745, %reduce_min3A_746 [0] : vector<1024x512xi32> to vector<512xi32>
    %broadcast_in_dim3A_748 = vector.shape_cast %reduce_min3A_747 : vector<512xi32> to vector<1x512xi32>
    %eq3A_749 = vector.broadcast %broadcast_in_dim3A_748 : vector<1x512xi32> to vector<1024x512xi32>
    %eq3A_750 = arith.cmpi eq, %select_n3A_745, %eq3A_749 : vector<1024x512xi32>
    %jit3A_751 = arith.constant 1073741824 : i32
    %broadcast_in_dim3A_752 = vector.broadcast %jit3A_751 : i32 to vector<1024x512xi32>
    %select_n3A_753 = arith.select %eq3A_750, %iota3A_508, %broadcast_in_dim3A_752 : vector<1024x512xi1>, vector<1024x512xi32>
    %reduce_min3A_754 = arith.constant dense<2147483647> : vector<512xi32>
    %reduce_min3A_755 = vector.multi_reduction <minsi>, %select_n3A_753, %reduce_min3A_754 [0] : vector<1024x512xi32> to vector<512xi32>
    %broadcast_in_dim3A_756 = vector.shape_cast %reduce_min3A_755 : vector<512xi32> to vector<1x512xi32>
    %jit3A_757 = arith.constant 128 : i32
    %div3A_758 = vector.broadcast %jit3A_757 : i32 to vector<1x512xi32>
    %div3A_759 = arith.divsi %broadcast_in_dim3A_756, %div3A_758 : vector<1x512xi32>
    %sign3A_760 = arith.constant 0 : i32
    %sign3A_761 = vector.broadcast %sign3A_760 : i32 to vector<1x512xi32>
    %sign3A_762 = arith.cmpi sgt, %broadcast_in_dim3A_756, %sign3A_761 : vector<1x512xi32>
    %sign3A_763 = arith.extui %sign3A_762 : vector<1x512xi1> to vector<1x512xi32>
    %sign3A_764 = arith.constant 0 : i32
    %sign3A_765 = vector.broadcast %sign3A_764 : i32 to vector<1x512xi32>
    %sign3A_766 = arith.cmpi slt, %broadcast_in_dim3A_756, %sign3A_765 : vector<1x512xi32>
    %sign3A_767 = arith.extui %sign3A_766 : vector<1x512xi1> to vector<1x512xi32>
    %sign3A_768 = arith.subi %sign3A_763, %sign3A_767 : vector<1x512xi32>
    %sign3A_769 = arith.constant 0 : i32
    %sign3A_770 = arith.cmpi sgt, %jit3A_757, %sign3A_769 : i32
    %sign3A_771 = arith.extui %sign3A_770 : i1 to i32
    %sign3A_772 = arith.constant 0 : i32
    %sign3A_773 = arith.cmpi slt, %jit3A_757, %sign3A_772 : i32
    %sign3A_774 = arith.extui %sign3A_773 : i1 to i32
    %sign3A_775 = arith.subi %sign3A_771, %sign3A_774 : i32
    %ne3A_776 = vector.broadcast %sign3A_775 : i32 to vector<1x512xi32>
    %ne3A_777 = arith.cmpi ne, %sign3A_768, %ne3A_776 : vector<1x512xi32>
    %rem3A_778 = vector.broadcast %jit3A_757 : i32 to vector<1x512xi32>
    %rem3A_779 = arith.remsi %broadcast_in_dim3A_756, %rem3A_778 : vector<1x512xi32>
    %ne3A_780 = arith.constant 0 : i32
    %ne3A_781 = vector.broadcast %ne3A_780 : i32 to vector<1x512xi32>
    %ne3A_782 = arith.cmpi ne, %rem3A_779, %ne3A_781 : vector<1x512xi32>
    %and3A_783 = arith.andi %ne3A_777, %ne3A_782 : vector<1x512xi1>
    %sub3A_784 = arith.constant 1 : i32
    %sub3A_785 = vector.broadcast %sub3A_784 : i32 to vector<1x512xi32>
    %sub3A_786 = arith.subi %div3A_759, %sub3A_785 : vector<1x512xi32>
    %select_n3A_787 = arith.select %and3A_783, %sub3A_786, %div3A_759 : vector<1x512xi1>, vector<1x512xi32>
    %mul3A_788 = arith.constant 2048 : i32
    %mul3A_789 = vector.broadcast %mul3A_788 : i32 to vector<1x512xi32>
    %mul3A_790 = arith.muli %select_n3A_787, %mul3A_789 : vector<1x512xi32>
    %jit3A_791 = arith.constant 64 : i32
    %eq3A_792 = arith.constant 0 : i32
    %eq3A_793 = arith.cmpi eq, %jit3A_791, %eq3A_792 : i32
    %jit3A_794 = arith.constant 1 : i32
    %select_n3A_795 = arith.select %eq3A_793, %jit3A_794, %jit3A_791 : i32
    %rem3A_796 = vector.broadcast %select_n3A_795 : i32 to vector<1x512xi32>
    %rem3A_797 = arith.remsi %broadcast_in_dim3A_756, %rem3A_796 : vector<1x512xi32>
    %ne3A_798 = arith.constant 0 : i32
    %ne3A_799 = vector.broadcast %ne3A_798 : i32 to vector<1x512xi32>
    %ne3A_800 = arith.cmpi ne, %rem3A_797, %ne3A_799 : vector<1x512xi32>
    %lt3A_801 = arith.constant 0 : i32
    %lt3A_802 = vector.broadcast %lt3A_801 : i32 to vector<1x512xi32>
    %lt3A_803 = arith.cmpi slt, %rem3A_797, %lt3A_802 : vector<1x512xi32>
    %lt3A_804 = arith.constant 0 : i32
    %lt3A_805 = arith.cmpi slt, %select_n3A_795, %lt3A_804 : i32
    %ne3A_806 = vector.broadcast %lt3A_805 : i1 to vector<1x512xi1>
    %ne3A_807 = vector.broadcast %ne3A_806 : vector<1x512xi1> to vector<1x512xi1>
    %ne3A_808 = arith.xori %lt3A_803, %ne3A_807 : vector<1x512xi1>
    %and3A_809 = arith.andi %ne3A_808, %ne3A_800 : vector<1x512xi1>
    %add3A_810 = vector.broadcast %select_n3A_795 : i32 to vector<1x512xi32>
    %add3A_811 = arith.addi %rem3A_797, %add3A_810 : vector<1x512xi32>
    %select_n3A_812 = arith.select %and3A_809, %add3A_811, %rem3A_797 : vector<1x512xi1>, vector<1x512xi32>
    %add3A_813 = arith.addi %mul3A_790, %select_n3A_812 : vector<1x512xi32>
    %and3A_814 = arith.constant 31 : i32
    %and3A_815 = vector.broadcast %and3A_814 : i32 to vector<1x512xi32>
    %and3A_816 = arith.andi %broadcast_in_dim3A_748, %and3A_815 : vector<1x512xi32>
    %mul3A_817 = arith.constant 64 : i32
    %mul3A_818 = vector.broadcast %mul3A_817 : i32 to vector<1x512xi32>
    %mul3A_819 = arith.muli %mul3A_818, %and3A_816 : vector<1x512xi32>
    %add3A_820 = arith.addi %add3A_813, %mul3A_819 : vector<1x512xi32>
    %broadcast_in_dim3A_821 = arith.constant 0 : i32
    %broadcast_in_dim3A_822 = vector.broadcast %broadcast_in_dim3A_821 : i32 to vector<4x512xi32>
    %concatenate3A_823 = tpu.concatenate %add3A_580, %add3A_660, %add3A_740, %add3A_820, %broadcast_in_dim3A_822 in 0 : vector<1x512xi32>, vector<1x512xi32>, vector<1x512xi32>, vector<1x512xi32>, vector<4x512xi32> -> vector<8x512xi32>
    %swap3A = arith.constant 0 : index
    %swap3A_824 = arith.constant 0 : index
    %swap3A_825 = vector.load %arg3[%swap3A, %swap3A_824] : memref<8x512xi32, #tpu.memory_space<vmem>>, vector<8x512xi32>
    tpu.vector_store %arg3[%swap3A, %swap3A_824], %concatenate3A_823 {strides = array<i32>} : memref<8x512xi32, #tpu.memory_space<vmem>>, vector<8x512xi32>,
    return
  }
  func.func @transform_0(%arg0: i32) -> (i32, i32) {
    %c0_i32 = arith.constant 0 : i32
    %c0_i32_0 = arith.constant 0 : i32
    return %arg0, %c0_i32 : i32, i32
  }
  func.func @transform_1(%arg0: i32) -> (i32, i32) {
    %c0_i32 = arith.constant 0 : i32
    %c0_i32_0 = arith.constant 0 : i32
    %c0_i32_1 = arith.constant 0 : i32
    return %c0_i32, %c0_i32_0 : i32, i32
  }
  func.func @transform_2(%arg0: i32) -> (i32, i32) {
    %c0_i32 = arith.constant 0 : i32
    %c0_i32_0 = arith.constant 0 : i32
    return %c0_i32, %arg0 : i32, i32
  }
}

module attributes {stable_mosaic.version = 14 : i64} {
  func.func @_t9_body(%arg0: i32, %arg1: memref<512x96xf32, #tpu.memory_space<vmem>>, %arg2: memref<512x96xf32, #tpu.memory_space<vmem>>, %arg3: memref<96x9xf32, #tpu.memory_space<vmem>>, %arg4: memref<96x9xf32, #tpu.memory_space<vmem>>, %arg5: memref<512x9xf32, #tpu.memory_space<vmem>>) attributes {dimension_semantics = [#tpu.dimension_semantics<arbitrary>], iteration_bounds = array<i64: 8>, scalar_prefetch = 0 : i64, scratch_operands = 0 : i64, tpu.core_type = #tpu.core_type<tc>, window_params = [{transform_indices = @transform_0, window_bounds = array<i64: 512, 96>}, {transform_indices = @transform_1, window_bounds = array<i64: 512, 96>}, {pipeline_mode = #tpu.pipeline_mode<synchronous>, transform_indices = @transform_2, window_bounds = array<i64: 96, 9>}, {pipeline_mode = #tpu.pipeline_mode<synchronous>, transform_indices = @transform_3, window_bounds = array<i64: 96, 9>}, {transform_indices = @transform_4, window_bounds = array<i64: 512, 9>}]} {
    %get3A = arith.constant 0 : index
    %get3A_0 = arith.constant 0 : index
    %get3A_1 = vector.load %arg1[%get3A, %get3A_0] : memref<512x96xf32, #tpu.memory_space<vmem>>, vector<512x96xf32>
    %get3A_2 = arith.constant 0 : index
    %get3A_3 = arith.constant 0 : index
    %get3A_4 = vector.load %arg3[%get3A_2, %get3A_3] : memref<96x9xf32, #tpu.memory_space<vmem>>, vector<96x9xf32>
    %dot_general3A = arith.constant dense<0.000000e+00> : vector<512x9xf32>
    %dot_general3A_5 = tpu.matmul %get3A_1, %get3A_4, %dot_general3A {dimension_numbers = #tpu.dot_dimension_numbers<[1], [0], [0], [1], [0, 0, 1, 1], [], []>, transpose_lhs_hint = false} : vector<512x96xf32>, vector<96x9xf32>, vector<512x9xf32> -> vector<512x9xf32>
    %get3A_6 = arith.constant 0 : index
    %get3A_7 = arith.constant 0 : index
    %get3A_8 = vector.load %arg2[%get3A_6, %get3A_7] : memref<512x96xf32, #tpu.memory_space<vmem>>, vector<512x96xf32>
    %get3A_9 = arith.constant 0 : index
    %get3A_10 = arith.constant 0 : index
    %get3A_11 = vector.load %arg4[%get3A_9, %get3A_10] : memref<96x9xf32, #tpu.memory_space<vmem>>, vector<96x9xf32>
    %dot_general3A_12 = arith.constant dense<0.000000e+00> : vector<512x9xf32>
    %dot_general3A_13 = tpu.matmul %get3A_8, %get3A_11, %dot_general3A_12 {dimension_numbers = #tpu.dot_dimension_numbers<[1], [0], [0], [1], [0, 0, 1, 1], [], []>, transpose_lhs_hint = false} : vector<512x96xf32>, vector<96x9xf32>, vector<512x9xf32> -> vector<512x9xf32>
    %add3A = arith.addf %dot_general3A_5, %dot_general3A_13 : vector<512x9xf32>
    %swap3A = arith.constant 0 : index
    %swap3A_14 = arith.constant 0 : index
    %swap3A_15 = vector.load %arg5[%swap3A, %swap3A_14] : memref<512x9xf32, #tpu.memory_space<vmem>>, vector<512x9xf32>
    tpu.vector_store %arg5[%swap3A, %swap3A_14], %add3A {strides = array<i32>} : memref<512x9xf32, #tpu.memory_space<vmem>>, vector<512x9xf32>,
    return
  }
  func.func @transform_0(%arg0: i32) -> (i32, i32) {
    %c0_i32 = arith.constant 0 : i32
    %c0_i32_0 = arith.constant 0 : i32
    return %arg0, %c0_i32 : i32, i32
  }
  func.func @transform_1(%arg0: i32) -> (i32, i32) {
    %c0_i32 = arith.constant 0 : i32
    %c0_i32_0 = arith.constant 0 : i32
    return %arg0, %c0_i32 : i32, i32
  }
  func.func @transform_2(%arg0: i32) -> (i32, i32) {
    %c0_i32 = arith.constant 0 : i32
    %c0_i32_0 = arith.constant 0 : i32
    %c0_i32_1 = arith.constant 0 : i32
    return %c0_i32, %c0_i32_0 : i32, i32
  }
  func.func @transform_3(%arg0: i32) -> (i32, i32) {
    %c0_i32 = arith.constant 0 : i32
    %c0_i32_0 = arith.constant 0 : i32
    %c0_i32_1 = arith.constant 0 : i32
    return %c0_i32, %c0_i32_0 : i32, i32
  }
  func.func @transform_4(%arg0: i32) -> (i32, i32) {
    %c0_i32 = arith.constant 0 : i32
    %c0_i32_0 = arith.constant 0 : i32
    return %arg0, %c0_i32 : i32, i32
  }
}

module attributes {stable_mosaic.version = 14 : i64} {
  func.func @_shift_body(%arg0: memref<9x64x64xf32, #tpu.memory_space<vmem>>, %arg1: memref<1x1xf32, #tpu.memory_space<smem>>, %arg2: memref<64x64xf32, #tpu.memory_space<vmem>>) attributes {dimension_semantics = [], scalar_prefetch = 0 : i64, scratch_operands = 0 : i64, tpu.core_type = #tpu.core_type<tc>} {
    %broadcast_in_dim3A = arith.constant 0.000000e+00 : f32
    %broadcast_in_dim3A_0 = vector.broadcast %broadcast_in_dim3A : f32 to vector<1x64xf32>
    %broadcast_in_dim3A_1 = arith.constant 0.000000e+00 : f32
    %broadcast_in_dim3A_2 = vector.broadcast %broadcast_in_dim3A_1 : f32 to vector<64x1xf32>
    %broadcast_in_dim3A_3 = arith.constant 0.000000e+00 : f32
    %broadcast_in_dim3A_4 = vector.broadcast %broadcast_in_dim3A_3 : f32 to vector<64x64xf32>
    %get3A = arith.constant 0 : index
    %get3A_5 = arith.constant 0 : index
    %get3A_6 = arith.constant 0 : index
    %get3A_7 = vector.load %arg0[%get3A, %get3A_5, %get3A_6] : memref<9x64x64xf32, #tpu.memory_space<vmem>>, vector<1x64x64xf32>
    %get3A_8 = vector.shape_cast %get3A_7 : vector<1x64x64xf32> to vector<64x64xf32>
    %slice3A = vector.extract_strided_slice %get3A_8 {offsets = [0, 0], sizes = [63, 64], strides = [1, 1]} : vector<64x64xf32> to vector<63x64xf32>
    %concatenate3A = tpu.concatenate %broadcast_in_dim3A_0, %slice3A in 0 : vector<1x64xf32>, vector<63x64xf32> -> vector<64x64xf32>
    %slice3A_9 = vector.extract_strided_slice %concatenate3A {offsets = [0, 0], sizes = [64, 63], strides = [1, 1]} : vector<64x64xf32> to vector<64x63xf32>
    %concatenate3A_10 = tpu.concatenate %broadcast_in_dim3A_2, %slice3A_9 in 1 : vector<64x1xf32>, vector<64x63xf32> -> vector<64x64xf32>
    %add3A = arith.addf %broadcast_in_dim3A_4, %concatenate3A_10 : vector<64x64xf32>
    %get3A_11 = arith.constant 1 : index
    %get3A_12 = arith.constant 0 : index
    %get3A_13 = arith.constant 0 : index
    %get3A_14 = vector.load %arg0[%get3A_11, %get3A_12, %get3A_13] : memref<9x64x64xf32, #tpu.memory_space<vmem>>, vector<1x64x64xf32>
    %get3A_15 = vector.shape_cast %get3A_14 : vector<1x64x64xf32> to vector<64x64xf32>
    %slice3A_16 = vector.extract_strided_slice %get3A_15 {offsets = [0, 0], sizes = [63, 64], strides = [1, 1]} : vector<64x64xf32> to vector<63x64xf32>
    %concatenate3A_17 = tpu.concatenate %broadcast_in_dim3A_0, %slice3A_16 in 0 : vector<1x64xf32>, vector<63x64xf32> -> vector<64x64xf32>
    %add3A_18 = arith.addf %add3A, %concatenate3A_17 : vector<64x64xf32>
    %get3A_19 = arith.constant 2 : index
    %get3A_20 = arith.constant 0 : index
    %get3A_21 = arith.constant 0 : index
    %get3A_22 = vector.load %arg0[%get3A_19, %get3A_20, %get3A_21] : memref<9x64x64xf32, #tpu.memory_space<vmem>>, vector<1x64x64xf32>
    %get3A_23 = vector.shape_cast %get3A_22 : vector<1x64x64xf32> to vector<64x64xf32>
    %slice3A_24 = vector.extract_strided_slice %get3A_23 {offsets = [0, 0], sizes = [63, 64], strides = [1, 1]} : vector<64x64xf32> to vector<63x64xf32>
    %concatenate3A_25 = tpu.concatenate %broadcast_in_dim3A_0, %slice3A_24 in 0 : vector<1x64xf32>, vector<63x64xf32> -> vector<64x64xf32>
    %slice3A_26 = vector.extract_strided_slice %concatenate3A_25 {offsets = [0, 1], sizes = [64, 63], strides = [1, 1]} : vector<64x64xf32> to vector<64x63xf32>
    %concatenate3A_27 = tpu.concatenate %slice3A_26, %broadcast_in_dim3A_2 in 1 : vector<64x63xf32>, vector<64x1xf32> -> vector<64x64xf32>
    %add3A_28 = arith.addf %add3A_18, %concatenate3A_27 : vector<64x64xf32>
    %get3A_29 = arith.constant 3 : index
    %get3A_30 = arith.constant 0 : index
    %get3A_31 = arith.constant 0 : index
    %get3A_32 = vector.load %arg0[%get3A_29, %get3A_30, %get3A_31] : memref<9x64x64xf32, #tpu.memory_space<vmem>>, vector<1x64x64xf32>
    %get3A_33 = vector.shape_cast %get3A_32 : vector<1x64x64xf32> to vector<64x64xf32>
    %slice3A_34 = vector.extract_strided_slice %get3A_33 {offsets = [0, 0], sizes = [64, 63], strides = [1, 1]} : vector<64x64xf32> to vector<64x63xf32>
    %concatenate3A_35 = tpu.concatenate %broadcast_in_dim3A_2, %slice3A_34 in 1 : vector<64x1xf32>, vector<64x63xf32> -> vector<64x64xf32>
    %add3A_36 = arith.addf %add3A_28, %concatenate3A_35 : vector<64x64xf32>
    %get3A_37 = arith.constant 4 : index
    %get3A_38 = arith.constant 0 : index
    %get3A_39 = arith.constant 0 : index
    %get3A_40 = vector.load %arg0[%get3A_37, %get3A_38, %get3A_39] : memref<9x64x64xf32, #tpu.memory_space<vmem>>, vector<1x64x64xf32>
    %get3A_41 = vector.shape_cast %get3A_40 : vector<1x64x64xf32> to vector<64x64xf32>
    %add3A_42 = arith.addf %add3A_36, %get3A_41 : vector<64x64xf32>
    %get3A_43 = arith.constant 5 : index
    %get3A_44 = arith.constant 0 : index
    %get3A_45 = arith.constant 0 : index
    %get3A_46 = vector.load %arg0[%get3A_43, %get3A_44, %get3A_45] : memref<9x64x64xf32, #tpu.memory_space<vmem>>, vector<1x64x64xf32>
    %get3A_47 = vector.shape_cast %get3A_46 : vector<1x64x64xf32> to vector<64x64xf32>
    %slice3A_48 = vector.extract_strided_slice %get3A_47 {offsets = [0, 1], sizes = [64, 63], strides = [1, 1]} : vector<64x64xf32> to vector<64x63xf32>
    %concatenate3A_49 = tpu.concatenate %slice3A_48, %broadcast_in_dim3A_2 in 1 : vector<64x63xf32>, vector<64x1xf32> -> vector<64x64xf32>
    %add3A_50 = arith.addf %add3A_42, %concatenate3A_49 : vector<64x64xf32>
    %get3A_51 = arith.constant 6 : index
    %get3A_52 = arith.constant 0 : index
    %get3A_53 = arith.constant 0 : index
    %get3A_54 = vector.load %arg0[%get3A_51, %get3A_52, %get3A_53] : memref<9x64x64xf32, #tpu.memory_space<vmem>>, vector<1x64x64xf32>
    %get3A_55 = vector.shape_cast %get3A_54 : vector<1x64x64xf32> to vector<64x64xf32>
    %slice3A_56 = vector.extract_strided_slice %get3A_55 {offsets = [1, 0], sizes = [63, 64], strides = [1, 1]} : vector<64x64xf32> to vector<63x64xf32>
    %concatenate3A_57 = tpu.concatenate %slice3A_56, %broadcast_in_dim3A_0 in 0 : vector<63x64xf32>, vector<1x64xf32> -> vector<64x64xf32>
    %slice3A_58 = vector.extract_strided_slice %concatenate3A_57 {offsets = [0, 0], sizes = [64, 63], strides = [1, 1]} : vector<64x64xf32> to vector<64x63xf32>
    %concatenate3A_59 = tpu.concatenate %broadcast_in_dim3A_2, %slice3A_58 in 1 : vector<64x1xf32>, vector<64x63xf32> -> vector<64x64xf32>
    %add3A_60 = arith.addf %add3A_50, %concatenate3A_59 : vector<64x64xf32>
    %get3A_61 = arith.constant 7 : index
    %get3A_62 = arith.constant 0 : index
    %get3A_63 = arith.constant 0 : index
    %get3A_64 = vector.load %arg0[%get3A_61, %get3A_62, %get3A_63] : memref<9x64x64xf32, #tpu.memory_space<vmem>>, vector<1x64x64xf32>
    %get3A_65 = vector.shape_cast %get3A_64 : vector<1x64x64xf32> to vector<64x64xf32>
    %slice3A_66 = vector.extract_strided_slice %get3A_65 {offsets = [1, 0], sizes = [63, 64], strides = [1, 1]} : vector<64x64xf32> to vector<63x64xf32>
    %concatenate3A_67 = tpu.concatenate %slice3A_66, %broadcast_in_dim3A_0 in 0 : vector<63x64xf32>, vector<1x64xf32> -> vector<64x64xf32>
    %add3A_68 = arith.addf %add3A_60, %concatenate3A_67 : vector<64x64xf32>
    %get3A_69 = arith.constant 8 : index
    %get3A_70 = arith.constant 0 : index
    %get3A_71 = arith.constant 0 : index
    %get3A_72 = vector.load %arg0[%get3A_69, %get3A_70, %get3A_71] : memref<9x64x64xf32, #tpu.memory_space<vmem>>, vector<1x64x64xf32>
    %get3A_73 = vector.shape_cast %get3A_72 : vector<1x64x64xf32> to vector<64x64xf32>
    %slice3A_74 = vector.extract_strided_slice %get3A_73 {offsets = [1, 0], sizes = [63, 64], strides = [1, 1]} : vector<64x64xf32> to vector<63x64xf32>
    %concatenate3A_75 = tpu.concatenate %slice3A_74, %broadcast_in_dim3A_0 in 0 : vector<63x64xf32>, vector<1x64xf32> -> vector<64x64xf32>
    %slice3A_76 = vector.extract_strided_slice %concatenate3A_75 {offsets = [0, 1], sizes = [64, 63], strides = [1, 1]} : vector<64x64xf32> to vector<64x63xf32>
    %concatenate3A_77 = tpu.concatenate %slice3A_76, %broadcast_in_dim3A_2 in 1 : vector<64x63xf32>, vector<64x1xf32> -> vector<64x64xf32>
    %add3A_78 = arith.addf %add3A_68, %concatenate3A_77 : vector<64x64xf32>
    %get3A_79 = arith.constant 0 : index
    %get3A_80 = arith.constant 0 : index
    %get3A_81 = memref.load %arg1[%get3A_79, %get3A_80] : memref<1x1xf32, #tpu.memory_space<smem>>
    %add3A_82 = vector.broadcast %get3A_81 : f32 to vector<64x64xf32>
    %add3A_83 = arith.addf %add3A_78, %add3A_82 : vector<64x64xf32>
    %swap3A = arith.constant 0 : index
    %swap3A_84 = arith.constant 0 : index
    %swap3A_85 = vector.load %arg2[%swap3A, %swap3A_84] : memref<64x64xf32, #tpu.memory_space<vmem>>, vector<64x64xf32>
    tpu.vector_store %arg2[%swap3A, %swap3A_84], %add3A_83 {strides = array<i32>} : memref<64x64xf32, #tpu.memory_space<vmem>>, vector<64x64xf32>,
    return
  }
}

</mosaic_0001>

<sc_bundles>
// kernel: kernel.6.cloned.1.call-start
scs
__scs_entry_jumppad:
0x0: {  	(pc) =	sbr.rel $0x88, $3  }
0x1: {  	(tag) =	ssettag $0x0;
	lr =	simm.s32 $0x1  }
0x2: {  	[smem:$0x3F9D] =	sst lr;
	_ =	strace $0xD0000000  }
0x3: {  	_ = 	snop  }
0x4: {  	_ = 	snop  }
0x5: {  	_ = 	snop  }
0x6: {  	_ = 	snop  }
0x7: {  	_ = 	snop  }
__scs_overlays_trampoline_lowered:
0x8: {  	[smem:$0x3FAC] =	sst s0  }
0x9: {  	[smem:$0x3FAD] =	sst s1  }
0xa: {  	[smem:$0x3FAE] =	sst s2  }
0xb: {  	[smem:$0x3FAF] =	sst s3  }
0xc: {  	[smem:$0x3FB0] =	sst s4  }
0xd: {  	[smem:$0x3FB1] =	sst s5  }
0xe: {  	[smem:$0x3FB2] =	sst s6  }
0xf: {  	[smem:$0x3FB3] =	sst s7  }
0x10: {  	[smem:$0x3FB4] =	sst s8  }
0x11: {  	[smem:$0x3FB5] =	sst s9;
	s0 =	simm.s32 @!p0 $0x0  }
0x12: {  	s1 =	sld [smem:$0x3F9B];
	s0 =	simm.s32 @p0 $0x1  }
0x13: {  	[smem:$0x3FB6] =	sst s0;
	s0 =	simm.s32 @!p1 $0x0  }
0x14: {  	s2 =	sld [smem:$0x3F9A];
	s0 =	simm.s32 @p1 $0x1  }
0x15: {  	[smem:$0x3FB7] =	sst s0;
	s0 =	simm.s32 @!p2 $0x0  }
0x16: {  	s3 =	sld [smem:$0x3FDB];
	s0 =	simm.s32 @p2 $0x1  }
0x17: {  	s4 =	simm.s32 $0x1BF5;
	[smem:$0x3FB9] =	sst s0  }
0x18: {  	s0 =	sld [smem:$0x3F9C];
	_ =	swait.ge [sflag:s4], $0x0  }
0x19: {  	s7 =	sld [smem:$0x3F9D]  }
0x1a: {  	s8 =	sadd.s32 $0xFFFFE003, lr  }
0x1b: {  	s9 =	sadd.s32 $0xFFFFFEF7, lr;
	s5 =	simm.s32 $0xFFFFFFFF;
	p2 =	slt.u32 s8, $0xFFFFF086  }
0x1c: {  	p1 =	slt.u32 s9, $0xF7A;
	s5 =	simm.s32 @!p2 $0x0  }
0x1d: {  	s5 =	simm.s32 @p1 $0x1;
	p0 =	seq.s32 s7, s2  }
0x1e: {  	s7 =	smul.u32 @!p0 $0xF7A, s2;
	p2 =	seq.s32 @!p0 s5, $0x0  }
0x1f: {  	s9 =	smul.u32 $0xF7A, s1;
	s8 =	simm.s32 @!p0 $0x1BF5;
	p2 =	por !p2, p0  }
0x20: {  	[sflag:s8] =	ssyncset.s32 @!p0 $0xFFFFF086;
	s6 =	sadd.s32 @!p0 s3, s7;
	s7 =	simm.s32 @!p0 $0x108  }
0x21: {  	s3 =	sadd.s32 s3, s9;
	s6 =	sadd.s32 @!p0 $0x88, s6;
	s7 =	simm.s32 @p2 $0x1082  }
0x22: {  	[simem:s7], [sflag:s8] =	dma.local @!p0 [hbm:s6], $0xF7A  }
0x23: {  	s9 =	sor.u32 $0xD0000000, s2;
	s6 =	simm.s32 $0x108;
	_ =	swait.ge @!p0 [sflag:s8], $0x0  }
0x24: {  	s3 =	sadd.s32 $0x88, s3;
	s6 =	simm.s32 @!p1 $0x1082;
	[sflag:s4] =	ssyncset.s32 $0xFFFFF086  }
0x25: {  	[simem:s6], [sflag:s4] =	dma.local [hbm:s3], $0xF7A  }
0x26: {  	[smem:$0x3F9D] =	sst s1;
	(tag) =	ssettag s2;
	_ =	strace s9  }
0x27: {  	s1 =	sld [smem:$0x3FAD]  }
0x28: {  	s2 =	sld [smem:$0x3FAE]  }
0x29: {  	s4 =	sld [smem:$0x3FB0]  }
0x2a: {  	p0 =	seq.s32 s5, $0x0;
	s5 =	sld [smem:$0x3FB1]  }
0x2b: {  	s6 =	sld [smem:$0x3FB2]  }
0x2c: {  	s7 =	sld [smem:$0x3FB3]  }
0x2d: {  	s3 =	simm.s32 $0x108;
	s8 =	sld [smem:$0x3FB4]  }
0x2e: {  	s3 =	simm.s32 @!p0 $0x1082;
	s9 =	sld [smem:$0x3FB5]  }
0x2f: {  	lr =	sadd.s32 s0, s3;
	s0 =	sld [smem:$0x3FAC]  }
0x30: {  	s3 =	sld [smem:$0x3FAF]  }
0x31: {  	[smem:$0x3FB8] =	sst s10  }
0x32: {  	s10 =	sld [smem:$0x3FB6];
	_ =	sdelay $0x3  }
0x33: {  	p0 =	seq.s32 s10, $0x1;
	s10 =	sld [smem:$0x3FB8];
	_ =	sdelay $0x3  }
0x34: {  	[smem:$0x3FB8] =	sst s10  }
0x35: {  	s10 =	sld [smem:$0x3FB7];
	_ =	sdelay $0x3  }
0x36: {  	p1 =	seq.s32 s10, $0x1;
	s10 =	sld [smem:$0x3FB8];
	_ =	sdelay $0x3  }
0x37: {  	[smem:$0x3FB8] =	sst s10  }
0x38: {  	s10 =	sld [smem:$0x3FB9]  }
0x39: {  	_ = 	snop;
	(pc) =	sbr.ind lr, $3  }
0x3a: {  	_ = 	snop  }
0x3b: {  	_ = 	snop  }
0x3c: {  	p2 =	seq.s32 s10, $0x1;
	s10 =	sld [smem:$0x3FB8]  }
0x3d: {  	_ =	shalt  }
0x3e: {  	_ =	shalt  }
0x3f: {  	_ =	shalt  }
0x40: {  	_ =	shalt  }
0x41: {  	_ =	shalt  }
0x42: {  	_ =	shalt  }
0x43: {  	_ =	shalt  }
0x44: {  	_ =	shalt  }
0x45: {  	_ =	shalt  }
0x46: {  	_ =	shalt  }
0x47: {  	_ =	shalt  }
0x48: {  	_ =	shalt  }
0x49: {  	_ =	shalt  }
0x4a: {  	_ =	shalt  }
0x4b: {  	_ =	shalt  }
0x4c: {  	_ =	shalt  }
0x4d: {  	_ =	shalt  }
0x4e: {  	_ =	shalt  }
0x4f: {  	_ =	shalt  }
0x50: {  	_ =	shalt  }
0x51: {  	_ =	shalt  }
0x52: {  	_ =	shalt  }
0x53: {  	_ =	shalt  }
0x54: {  	_ =	shalt  }
0x55: {  	_ =	shalt  }
0x56: {  	_ =	shalt  }
0x57: {  	_ =	shalt  }
0x58: {  	_ =	shalt  }
0x59: {  	_ =	shalt  }
0x5a: {  	_ =	shalt  }
0x5b: {  	_ =	shalt  }
0x5c: {  	_ =	shalt  }
0x5d: {  	_ =	shalt  }
0x5e: {  	_ =	shalt  }
0x5f: {  	_ =	shalt  }
0x60: {  	_ =	shalt  }
0x61: {  	_ =	shalt  }
0x62: {  	_ =	shalt  }
0x63: {  	_ =	shalt  }
0x64: {  	_ =	shalt  }
0x65: {  	_ =	shalt  }
0x66: {  	_ =	shalt  }
0x67: {  	_ =	shalt  }
0x68: {  	_ =	shalt  }
0x69: {  	_ =	shalt  }
0x6a: {  	_ =	shalt  }
0x6b: {  	_ =	shalt  }
0x6c: {  	_ =	shalt  }
0x6d: {  	_ =	shalt  }
0x6e: {  	_ =	shalt  }
0x6f: {  	_ =	shalt  }
0x70: {  	_ =	shalt  }
0x71: {  	_ =	shalt  }
0x72: {  	_ =	shalt  }
0x73: {  	_ =	shalt  }
0x74: {  	_ =	shalt  }
0x75: {  	_ =	shalt  }
0x76: {  	_ =	shalt  }
0x77: {  	_ =	shalt  }
0x78: {  	_ =	shalt  }
0x79: {  	_ =	shalt  }
0x7a: {  	_ =	shalt  }
0x7b: {  	_ =	shalt  }
0x7c: {  	_ =	shalt  }
0x7d: {  	_ =	shalt  }
0x7e: {  	_ =	shalt  }
0x7f: {  	_ =	shalt  }
0x80: {  	_ =	shalt  }
0x81: {  	_ =	shalt  }
0x82: {  	_ =	shalt  }
0x83: {  	_ =	shalt  }
0x84: {  	_ =	shalt  }
0x85: {  	_ =	shalt  }
0x86: {  	_ =	shalt  }
0x87: {  	_ =	shalt  }
.Lfunc_end0:
.L_simem_size_0:
called_computation_lowered:
.L_overlay_start_0:
0x88: {  	s2 =	sld [smem:$0x3FD9]  }
0x89: {  	s3 =	sld [smem:$0x3FFE];
	_ =	sdelay $0x1  }
0x8a: {  	s1 =	srdreg.scid  }
0x8b: {  	s0 =	sand.u32 $0x1, s1  }
0x8c: {  	s16 =	sshll.u32 s0, $0xA;
	s2 =	sadd.s32 s3, s2  }
0x8d: {  	s2 =	sadd.s32 s2, s16  }
0x8e: {  	[smem:$0x3FC4] =	sst s2  }
0x8f: {  	_ = 	snop  }
0x90: {  	(tm) =	ssettm $0x1  }
0x91: {  	s17 =	sld [smem:$0x3FFB];
	_ =	sdelay $0x3  }
0x92: {  	_ =	strace s17  }
0x93: {  	s2 =	sld [smem:$0x3FFC];
	_ =	sdelay $0x3  }
0x94: {  	_ =	strace s2  }
0x95: {  	s2 =	sld [smem:$0x3FFD];
	_ =	sdelay $0x3  }
0x96: {  	_ =	strace s2  }
0x97: {  	_ =	strace $0x8FFFFFFF  }
0x98: {  	s18 =	sld [smem:$0x3FDB];
	_ =	sdelay $0x1  }
0x99: {  	s19 =	simm.s32 $_scs_section_size  }
0x9a: {  	s4 =	simm.s32 $_size__tile_overlayer_lowered;
	s5 =	simm.s32 $_tile_overlayer_lowered  }
0x9b: {  	s22 =	simm.s32 $0x1BFF;
	s21 =	sshll.u32 s5, $0x1;
	s2 =	sadd.s32 s19, s18  }
0x9c: {  	s6 =	simm.s32 $0x0;
	s20 =	sshll.u32 s4, $0x1;
	s4 =	sadd.s32 s21, s2  }
0x9d: {  	[timem:s6], [sflag:s22] =	dma.local [hbm:s4], s20  }
0x9e: {  	_ =	swait.ge [sflag:s22], s20  }
0x9f: {  	s3 =	ssub.s32 $0x0, s20;
	[sflag:s22] =	ssyncset.done $0x0  }
0xa0: {  	[sflag:s22] =	ssyncadd.s32 s3;
	_ =	sdelay $0x1  }
0xa1: {  	s23 =	simm.s32 $0x1B8B  }
0xa2: {  	_ =	swait.ge [sflag:s23], $0x1  }
0xa3: {  	[sflag:s23] =	ssyncset.done $0x0  }
0xa4: {  	s25 =	simm.s32 $0x1B8E;
	s24 =	sld [smem:$0x3FFE];
	[sflag:s23] =	ssyncadd.s32 $0xFFFFFFFF  }
0xa5: {  	s26 =	simm.s32 $execute0_lowered;
	[smem:$0x3FD2] =	sst s25  }
0xa6: {  	s4 =	sshll.u32 s26, $0x1;
	_ =	strace $0x80000046;
	[dreg:$0x1] =	wrdreg $0xFFFFFFFF  }
0xa7: {  	s28 =	simm.s32 $_size_execute0_lowered;
	s2 =	sadd.s32 s2, s4;
	[dreg:$0x0] =	wrdreg $0x0  }
0xa8: {  	s4 =	sshll.u32 s28, $0x1;
	[dreg:$0x2] =	wrdreg s2  }
0xa9: {  	[dreg:$0x3] =	wrdreg s4  }
0xaa: {  	[dreg:$0x4] =	wrdreg $0xC0  }
0xab: {  	_ =	task [dreg:s6], $0x5FFFF  }
0xac: {  	[dreg:$0x1] =	wrdreg $0xFFFFFFFF  }
0xad: {  	[dreg:$0x0] =	wrdreg $0x60  }
0xae: {  	[dreg:$0x2] =	wrdreg s24  }
0xaf: {  	[dreg:$0x3] =	wrdreg $0x9  }
0xb0: {  	_ =	task.clear_ibuf [dreg:s6], $0x4FFFF;
	_ =	strace $0x90000046  }
0xb1: {  	s29 =	simm.s32 $0x9;
	_ =	strace $0x80000048  }
0xb2: {  	_ =	swait.ge [sflag:s29], $0x1  }
0xb3: {  	[sflag:s29] =	ssyncadd.s32 $0xFFFFFFFF  }
0xb4: {  	_ =	strace $0x90000048  }
0xb5: {  	_ =	sfence  }
0xb6: {  	s30 =	sld [smem:$0x0];
	_ =	sdelay $0x2  }
0xb7: {  	s31 =	sshll.u32 s1, $0xD;
	s1 =	sshrl.u32 s1, $0x2  }
0xb8: {  	s3 =	sand.u32 $0x4000, s31;
	s1 =	sadd.s32 s1, s30  }
0xb9: {  	s0 =	sor.u32 s3, s0;
	s1 =	sshll.u32 s1, $0x11  }
0xba: {  	s0 =	sor.u32 s1, s0  }
0xbb: {  	s0 =	sadd.s32 $0x8F2B, s0  }
0xbc: {  	[sflag:s0] =	ssyncadd.remote.s32 $0x1  }
0xbd: {  	_ =	sfence.sel $0xFFFF  }
0xbe: {  	[dreg:$0x0] =	wrdreg $0xFFFFFFFF;
	(pc) =	sbr.abs _section_cstart, $3  }
0xbf: {  	[dreg:$0x1] =	wrdreg $0xFFFFFFFF  }
0xc0: {  	_ =	task.clear_ibuf [dreg:s6], $0x2FFFF;
	_ =	strace $0x9FFFFFFF  }
0xc1: {  	(tm) =	ssettm $0x7FFFFFFF  }
tec
execute0_lowered:
.L_overlay_start_1:
0x0: {  	(tag) =	ssettag $0x1  }
0x1: {  	s4 =	rddreg [dreg:$0x0]  }
0x2: {  	s0 =	rddreg [dreg:$0x1]  }
0x3: {  	s3 =	srdreg.scid;
	s2 =	simm.s32 $0x0;
	s1 =	stileid.u32  }
0x4: {  	s8 =	simm.s32 $0x80;
	s9 =	simm.s32 $0x200;
	s10 =	simm.s32 $0x4200  }
0x5: {  	s11 =	simm.s32 $0x100;
	s12 =	simm.s32 $0x8200;
	s13 =	simm.s32 $0x180  }
0x6: {  	s14 =	simm.s32 $0xC200;
	s15 =	simm.s32 $0x1;
	s16 =	simm.s32 $0x10200  }
0x7: {  	s17 =	simm.s32 $0x0;
	s3 =	sand.u32 $0x1, s3;
	[smem:$0x7FF] =	sst s2  }
0x8: {  	s5 =	sshll.u32 s1, $0x8;
	s6 =	sshll.u32 s3, $0x7;
	_ =	strace $0x80000047  }
0x9: {  	s7 =	ssub.s32 $0x2, s3;
	s3 =	sadd.s32 $0x1200, s4;
	s5 =	sor.u32 s6, s5  }
0xa: {  	s31 =	sshrl.u32 s7, $0x1;
	s6 =	sadd.s32 s5, s4;
	s5 =	sshll.u32 s5, $0x4  }
0xb: {  	s7 =	ssub.s32 s7, s31;
	s5 =	sadd.s32 s5, s4;
	s4 =	sadd.s32 $0x200, s6  }
0xc: {  	s6 =	smax.u32 s7, $0x1;
	s7 =	simm.s32 $0x2;
	s5 =	sadd.s32 $0x41200, s5  }
.LBB2_1:
0xd: {  	[tilespmem:s2], [sflag:$0x2] =	stream.linear.gather [hbm4b:s4+s2], $0x200, $0x38;
	[tilespmem:$0x14200] =	vst v63  }
0xe: {  	_ =	swait.ge [sflag:s7], $0x200  }
0xf: {  	[sflag:s7] =	ssyncset.done $0x0  }
0x10: {  	[sflag:s7] =	ssyncadd.s32 $0xFFFFFE00  }
0x11: {  	[tilespmem:s9], [sflag:$0x1] =	stream.indirect.gather [hbm4b:s3+s8], $0x80, s2, s8, $0xb8;
	[tilespmem:$0x14200] =	vst v63  }
0x12: {  	_ = 	snop  }
0x13: {  	[tilespmem:s10], [sflag:$0x1] =	stream.indirect.gather [hbm4b:s3+s8], $0x80, s8, s8, $0xb8;
	[tilespmem:$0x14200] =	vst v63  }
0x14: {  	_ = 	snop  }
0x15: {  	[tilespmem:s12], [sflag:$0x1] =	stream.indirect.gather [hbm4b:s3+s8], $0x80, s11, s8, $0xb8;
	[tilespmem:$0x14200] =	vst v63  }
0x16: {  	_ = 	snop  }
0x17: {  	[tilespmem:s14], [sflag:$0x1] =	stream.indirect.gather [hbm4b:s3+s8], $0x80, s13, s8, $0xb8;
	[tilespmem:$0x14200] =	vst v63  }
0x18: {  	_ =	swait.ge [sflag:s15], $0x4000  }
0x19: {  	[sflag:s15] =	ssyncset.done $0x0  }
0x1a: {  	[sflag:s15] =	ssyncadd.s32 $0xFFFFC000  }
0x1b: {  	_ =	swait.ge [sflag:s15], $0x4000  }
0x1c: {  	[sflag:s15] =	ssyncset.done $0x0  }
0x1d: {  	[sflag:s15] =	ssyncadd.s32 $0xFFFFC000  }
0x1e: {  	_ =	swait.ge [sflag:s15], $0x4000  }
0x1f: {  	[sflag:s15] =	ssyncset.done $0x0  }
0x20: {  	[sflag:s15] =	ssyncadd.s32 $0xFFFFC000  }
0x21: {  	_ =	swait.ge [sflag:s15], $0x4000  }
0x22: {  	[sflag:s15] =	ssyncset.done $0x0  }
0x23: {  	s18 =	simm.s32 $0x0;
	[sflag:s15] =	ssyncadd.s32 $0xFFFFC000  }
0x24: {  	v0 =	vld [tilespmem:s18+$0x250]  }
0x25: {  	v1 =	vld [tilespmem:s18+$0x4250]  }
0x26: {  	v2 =	vld [tilespmem:s18+$0x200]  }
0x27: {  	v3 =	vld [tilespmem:s18+$0x8250]  }
0x28: {  	v4 =	vld [tilespmem:s18+$0x4200]  }
0x29: {  	v5 =	vld [tilespmem:s18+$0xC250]  }
0x2a: {  	v6 =	vld [tilespmem:s18+$0x210]  }
0x2b: {  	v7 =	vld [tilespmem:s18+$0x220]  }
0x2c: {  	v8 =	vld [tilespmem:s18+$0x230]  }
0x2d: {  	v9 =	vld [tilespmem:s18+$0x240]  }
0x2e: {  	v10 =	vld [tilespmem:s18+$0x4240];
	v0 =	vadd.f32 v1, v0  }
0x2f: {  	v11 =	vld [tilespmem:s18+$0x8200]  }
0x30: {  	v12 =	vld [tilespmem:s18+$0x8220];
	v0 =	vadd.f32 v3, v0  }
0x31: {  	v13 =	vld [tilespmem:s18+$0x8230]  }
0x32: {  	v1 =	vld [tilespmem:s18+$0x4210];
	v0 =	vadd.f32 v5, v0  }
0x33: {  	v3 =	vld [tilespmem:s18+$0x4220]  }
0x34: {  	v5 =	vld [tilespmem:s18+$0x4230];
	v0 =	vmul.f32 $2.500000000e-01, v0  }
0x35: {  	v14 =	vld [tilespmem:s18+$0x8240]  }
0x36: {  	[tilespmem:s18+$0x10250] =	vst v0;
	v0 =	vld [tilespmem:s18+$0x8210]  }
0x37: {  	v15 =	vld [tilespmem:s18+$0xC200];
	v2 =	vadd.f32 v4, v2  }
0x38: {  	v1 =	vadd.f32 v1, v6;
	v6 =	vld [tilespmem:s18+$0xC210];
	v4 =	vadd.f32 v3, v7  }
0x39: {  	v9 =	vadd.f32 v10, v9;
	v16 =	vadd.f32 v5, v8;
	v5 =	vld [tilespmem:s18+$0xC220]  }
0x3a: {  	v10 =	vadd.f32 v11, v2;
	v3 =	vld [tilespmem:s18+$0xC230];
	v7 =	vadd.f32 v12, v4  }
0x3b: {  	s19 =	simm.s32 $0x80;
	v2 =	vld [tilespmem:s18+$0xC240];
	v4 =	vadd.f32 v13, v16;
	v8 =	vadd.f32 v0, v1  }
0x3c: {  	s20 =	simm.s32 $0x400;
	v1 =	vadd.f32 v14, v9;
	v0 =	vld [tilespmem:s19+$0x250];
	v9 =	vadd.f32 v15, v10  }
.LBB2_2:
0x3d: {  	p0 =	sne.s32 s20, $0xFE00;
	v10 =	vld [tilespmem:s19+$0x4250];
	v6 =	vadd.f32 v6, v8  }
0x3e: {  	v8 =	vld [tilespmem:s19+$0x200];
	v9 =	vmul.f32 $2.500000000e-01, v9;
	v5 =	vadd.f32 v5, v7  }
0x3f: {  	v7 =	vld [tilespmem:s19+$0x8250];
	v6 =	vmul.f32 $2.500000000e-01, v6;
	v3 =	vadd.f32 v3, v4  }
0x40: {  	v4 =	vld [tilespmem:s19+$0x4200];
	[tilespmem:s18+$0x10200] =	vst v9;
	v5 =	vmul.f32 $2.500000000e-01, v5;
	v1 =	vadd.f32 v2, v1  }
0x41: {  	v2 =	vld [tilespmem:s19+$0xC250];
	[tilespmem:s18+$0x10210] =	vst v6;
	v3 =	vmul.f32 $2.500000000e-01, v3  }
0x42: {  	v6 =	vld [tilespmem:s19+$0x210];
	v0 =	vadd.f32 v10, v0;
	[tilespmem:s18+$0x10220] =	vst v5;
	v1 =	vmul.f32 $2.500000000e-01, v1  }
0x43: {  	v5 =	vld [tilespmem:s19+$0x4210];
	[tilespmem:s18+$0x10230] =	vst v3  }
0x44: {  	v3 =	vld [tilespmem:s19+$0x220];
	v0 =	vadd.f32 v7, v0;
	[tilespmem:s18+$0x10240] =	vst v1;
	s18 =	smov.u32 s19  }
0x45: {  	v1 =	vadd.f32 v4, v8;
	v4 =	vld [tilespmem:s18+$0x4220]  }
0x46: {  	v7 =	vld [tilespmem:s18+$0x230];
	v0 =	vadd.f32 v2, v0  }
0x47: {  	v2 =	vld [tilespmem:s18+$0x4230]  }
0x48: {  	v5 =	vadd.f32 v5, v6;
	v6 =	vld [tilespmem:s18+$0x240];
	v0 =	vmul.f32 $2.500000000e-01, v0  }
0x49: {  	v8 =	vld [tilespmem:s18+$0x4240]  }
0x4a: {  	v9 =	vld [tilespmem:s18+$0x8200];
	v3 =	vadd.f32 v4, v3;
	[tilespmem:s18+$0x10250] =	vst v0  }
0x4b: {  	v0 =	vld [tilespmem:s18+$0x8210]  }
0x4c: {  	v4 =	vld [tilespmem:s18+$0x8220];
	v2 =	vadd.f32 v2, v7  }
0x4d: {  	v10 =	vld [tilespmem:s18+$0x8230]  }
0x4e: {  	v11 =	vadd.f32 v8, v6;
	v12 =	vld [tilespmem:s18+$0x8240]  }
0x4f: {  	v9 =	vadd.f32 v9, v1;
	v13 =	vld [tilespmem:s18+$0xC200]  }
.Ltmp0:
0x50: {  	v8 =	vadd.f32 v0, v5;
	v6 =	vld [tilespmem:s18+$0xC210];
	(pc) =	sbr.rel @p0 .LBB2_2-.Ltmp0, $4  }
0x51: {  	v7 =	vadd.f32 v4, v3;
	v5 =	vld [tilespmem:s18+$0xC220]  }
0x52: {  	v4 =	vadd.f32 v10, v2;
	v3 =	vld [tilespmem:s18+$0xC230]  }
0x53: {  	s19 =	sshra.s32 s20, $0x2;
	v1 =	vadd.f32 v12, v11;
	v2 =	vld [tilespmem:s18+$0xC240]  }
0x54: {  	s20 =	sadd.s32 $0x200, s20;
	v0 =	vld [tilespmem:s19+$0x250];
	v9 =	vadd.f32 v13, v9  }
0x55: {  	v10 =	vld [tilespmem:s19+$0x4250];
	v6 =	vadd.f32 v6, v8  }
0x56: {  	v11 =	vld [tilespmem:s19+$0x200];
	v45 =	vmul.f32 $2.500000000e-01, v9;
	v5 =	vadd.f32 v5, v7  }
0x57: {  	v46 =	vld [tilespmem:s19+$0x8250];
	v6 =	vmul.f32 $2.500000000e-01, v6;
	v3 =	vadd.f32 v3, v4  }
0x58: {  	v12 =	vld [tilespmem:s19+$0x4200];
	[tilespmem:s18+$0x10200] =	vst v45;
	v48 =	vmul.f32 $2.500000000e-01, v5;
	v1 =	vadd.f32 v2, v1  }
0x59: {  	v47 =	vld [tilespmem:s19+$0xC250];
	[tilespmem:s18+$0x10210] =	vst v6;
	v50 =	vmul.f32 $2.500000000e-01, v3  }
0x5a: {  	v49 =	vld [tilespmem:s19+$0x210];
	[tilespmem:s18+$0x10220] =	vst v48;
	v1 =	vmul.f32 $2.500000000e-01, v1  }
0x5b: {  	v51 =	vld [tilespmem:s19+$0x4210];
	[tilespmem:s18+$0x10230] =	vst v50  }
0x5c: {  	v2 =	vld [tilespmem:s19+$0x220];
	[tilespmem:s18+$0x10240] =	vst v1  }
0x5d: {  	v1 =	vld [tilespmem:s19+$0x4220]  }
0x5e: {  	v4 =	vld [tilespmem:s19+$0x230]  }
0x5f: {  	v6 =	vld [tilespmem:s19+$0x4230]  }
0x60: {  	v52 =	vld [tilespmem:s19+$0x240]  }
0x61: {  	v8 =	vld [tilespmem:s19+$0x4240]  }
0x62: {  	v53 =	vld [tilespmem:s19+$0x8200]  }
0x63: {  	v0 =	vadd.f32 v10, v0;
	v54 =	vld [tilespmem:s19+$0x8210]  }
0x64: {  	v55 =	vld [tilespmem:s19+$0x8220]  }
0x65: {  	v0 =	vadd.f32 v46, v0;
	v13 =	vld [tilespmem:s19+$0x8230]  }
0x66: {  	v14 =	vld [tilespmem:s19+$0x8240]  }
0x67: {  	v15 =	vld [tilespmem:s19+$0xC200];
	v0 =	vadd.f32 v47, v0  }
0x68: {  	v11 =	vadd.f32 v12, v11;
	v56 =	vld [tilespmem:s19+$0xC210]  }
0x69: {  	v57 =	vld [tilespmem:s19+$0xC220];
	v0 =	vmul.f32 $2.500000000e-01, v0;
	v3 =	vadd.f32 v51, v49;
	v1 =	vadd.f32 v1, v2  }
0x6a: {  	v59 =	vld [tilespmem:s19+$0xC230];
	v4 =	vadd.f32 v6, v4;
	v58 =	vadd.f32 v53, v11  }
0x6b: {  	v60 =	vld [tilespmem:s19+$0xC240];
	[tilespmem:s19+$0x10250] =	vst v0;
	v7 =	vadd.f32 v8, v52;
	v0 =	vadd.f32 v54, v3  }
0x6c: {  	v1 =	vadd.f32 v55, v1;
	v5 =	vadd.f32 v15, v58  }
0x6d: {  	v4 =	vadd.f32 v13, v4;
	v0 =	vadd.f32 v56, v0  }
0x6e: {  	v7 =	vadd.f32 v14, v7;
	v5 =	vmul.f32 $2.500000000e-01, v5;
	v1 =	vadd.f32 v57, v1  }
0x6f: {  	v0 =	vmul.f32 $2.500000000e-01, v0;
	v61 =	vadd.f32 v59, v4  }
0x70: {  	v3 =	vadd.f32 v60, v7;
	[tilespmem:s19+$0x10200] =	vst v5;
	v1 =	vmul.f32 $2.500000000e-01, v1  }
0x71: {  	[tilespmem:s19+$0x10210] =	vst v0;
	v62 =	vmul.f32 $2.500000000e-01, v61  }
0x72: {  	s17 =	sadd.s32 $0x1, s17;
	v63 =	vmul.f32 $2.500000000e-01, v3;
	[tilespmem:s19+$0x10220] =	vst v1  }
0x73: {  	p0 =	sne.s32 s17, s6;
	[tilespmem:s19+$0x10230] =	vst v62  }
.Ltmp1:
0x74: {  	[tilespmem:s19+$0x10240] =	vst v63;
	(pc) =	sbr.rel @p0 .LBB2_1-.Ltmp1, $4  }
0x75: {  	[hbm4b:s5+s2] =	stream.linear.scatter [tilespmem:s16], [sflag:$0x2], $0x4000, $0x38;
	[tilespmem:$0x14200] =	vst v63  }
0x76: {  	_ =	swait.ge [sflag:s7], $0x4000  }
0x77: {  	[sflag:s7] =	ssyncset.done $0x0  }
0x78: {  	[sflag:s7] =	ssyncadd.s32 $0xFFFFC000  }
0x79: {  	_ =	sfence.sel $0x180000  }
0x7a: {  	[bflag:$0x0] =	sbarrier.arrive $0xFFFF  }
0x7b: {  	p0 =	sne.s32 s1, $0x0;
	_ =	strace $0x90000047  }
0x7c: {  	s0 =	sadd.s32 @!p0 $0x100000, s0;
	[bflag:$0x2] =	sbarrier.arrive $0xFFFF  }
0x7d: {  	[sflag:s0] =	ssyncadd.tile.s32 @!p0 $0x1;
	_ =	shalt  }
.Lfunc_end2:
_tile_overlayer_lowered:
.L_overlay_start_2:
0x7e: {  	(tag) =	ssettag $0x2  }
0x7f: {  	s0 =	rddreg [dreg:$0x0];
	s2 =	stileid.u32  }
0x80: {  	s1 =	rddreg [dreg:$0x1];
	p0 =	sne.s32 s2, $0x0  }
0x81: {  	s3 =	rddreg [dreg:$0x2];
	[bflag:$0x3] =	sbarrier.arrive $0xFFFF;
	s2 =	simm.s32 @!p0 $0x1C02  }
0x82: {  	[timem:s3], [sflag:s2] =	dma.local @!p0 [hbm:s0], s1  }
0x83: {  	s0 =	simm.s32 @!p0 $0x2  }
0x84: {  	_ =	swait.ge @!p0 [sflag:s0], s1  }
0x85: {  	s1 =	ssub.s32 @!p0 $0x0, s1;
	[sflag:s0] =	ssyncset.done @!p0 $0x0  }
0x86: {  	[sflag:s0] =	ssyncadd.s32 @!p0 s1  }
0x87: {  	[bflag:$0x3] =	sbarrier.arrive $0xFFFF  }
0x88: {  	_ =	shalt  }

</sc_bundles>
